<compile_context>
chip_gen: v7x
topology: tpu7x:2x2x1
jax: 0.10.2.dev20260603
libtpu: 0.0.44.dev20260713+nightly
codegen_flags: <defaults>
</compile_context>

<pallas_src>
import functools

import jax
import jax.numpy as jnp
from jax import lax
from jax.experimental import pallas as pl
from jax.experimental.pallas import tpu as pltpu
from jax.experimental.pallas import tpu_sc as plsc

NC = 2
NS = 16
L = 16
NW = NC * NS

LN2 = 0.6931471805599453
RW = 128
TAIL = 1024
FLAT_GRID = 16


def _flatten(main):
    n_rows = main.shape[0]
    flat = n_rows * RW
    rows_blk = n_rows // FLAT_GRID

    def body(m_ref, o_ref):
        o_ref[...] = m_ref[...].reshape(rows_blk * RW)

    return pl.pallas_call(
        body,
        grid=(FLAT_GRID,),
        in_specs=[pl.BlockSpec((rows_blk, RW), lambda i: (i, 0))],
        out_specs=pl.BlockSpec((rows_blk * RW,), lambda i: (i,)),
        out_shape=jax.ShapeDtypeStruct((flat,), jnp.float32),
    )(main)


@functools.partial(jax.jit, static_argnames=("b_per_w", "v"))
def _gain(x, nidx, main, tail, b_per_w, v):
    B = x.shape[0]
    main_len = main.shape[0]
    tail_start = v - TAIL
    nb = b_per_w + L

    @functools.partial(
        pl.kernel,
        out_type=jax.ShapeDtypeStruct((B,), jnp.float32),
        mesh=plsc.VectorSubcoreMesh(core_axis_name="c", subcore_axis_name="s"),
        compiler_params=pltpu.CompilerParams(needs_layout_passes=False),
        scratch_types=[
            pltpu.VMEM((nb,), jnp.int32),
            pltpu.VMEM((nb,), jnp.int32),
            pltpu.VMEM((nb,), jnp.float32),
            pltpu.VMEM((TAIL,), jnp.float32),
            pltpu.VMEM((b_per_w,), jnp.float32),
            pltpu.SemaphoreType.DMA,
            pltpu.SemaphoreType.DMA,
        ],
    )
    def body(x_hbm, nidx_hbm, main_hbm, tail_hbm, out_hbm,
             idx_v, cl_v, rows_v, tail_v, out_v, sem_l, sem_g):
        wid = lax.axis_index("s") * NC + lax.axis_index("c")
        base = wid * b_per_w
        cp_x = pltpu.async_copy(
            x_hbm.at[pl.ds(base, b_per_w)], idx_v.at[pl.ds(0, b_per_w)], sem_l)
        cp_n = pltpu.async_copy(nidx_hbm, idx_v.at[pl.ds(b_per_w, L)], sem_l)
        cp_t = pltpu.async_copy(tail_hbm, tail_v, sem_l)
        cp_x.wait()
        cp_n.wait()
        max_i = jnp.full((L,), main_len - 1, jnp.int32)
        for i in range(nb // L):
            sl = pl.ds(i * L, L)
            cl_v[sl] = jnp.minimum(idx_v[sl], max_i)
        cp_g = pltpu.async_copy(main_hbm.at[cl_v], rows_v, sem_g)
        cp_t.wait()
        cp_g.wait()

        zero = jnp.zeros((L,), jnp.int32)

        def pick(i):
            sl = pl.ds(i * L, L)
            c = idx_v[sl]
            t_idx = jnp.maximum(c - tail_start, zero)
            v_tail = plsc.load_gather(tail_v, [t_idx])
            return jnp.where(c >= main_len, v_tail, rows_v[sl])

        neutral = pick(b_per_w // L)
        for i in range(b_per_w // L):
            out_v[pl.ds(i * L, L)] = jnp.exp((pick(i) - neutral) * LN2)
        pltpu.sync_copy(out_v, out_hbm.at[pl.ds(base, b_per_w)])

    return body(x, nidx, main, tail)


def kernel(x, neutral_idx, W):
    B = x.shape[0]
    V = W.shape[0]
    n_rows = V // RW // 8 * 8
    main = _flatten(lax.slice(W, (0, 0), (n_rows * RW, 1)).reshape(n_rows, RW))
    tail = lax.slice(W, (V - TAIL, 0), (V, 1)).reshape(TAIL)
    nidx = jnp.full((L,), neutral_idx, dtype=jnp.int32)
    out = _gain(x, nidx, main, tail, B // NW, V)
    return out.reshape(B, 1)

# --- scband reference (transcript-rebuilt; emitter-appended) ---
"""Pipeline reference for scband-gain-table-24575802868510 (READ-ONLY COPY).

The authoritative reference and input builder live on the scoring server;
editing this copy changes nothing except your own understanding.
"""

import jax, jax.numpy as jnp
import numpy as np

NUM_IMAGES = 1000000
BATCH = 16384

def setup_inputs(seed: int = 0) -> dict:
    key = jax.random.key(seed)
    k1, _ = jax.random.split(key)
    x = jax.random.randint(k1, (BATCH,), 0, NUM_IMAGES, dtype=jnp.int64 if jax.config.jax_enable_x64 else jnp.int32).astype(jnp.int32)
    # Learned parameter: embedding table [num_images, 1], initialized to 0.0 per module __init__
    W = jnp.zeros((NUM_IMAGES, 1), dtype=jnp.float32)
    neutral_idx = 0
    return {"x": x, "neutral_idx": neutral_idx, "W": W}

def reference(x, neutral_idx, W):
    # neutral_gain = table(neutral_idx): gather single row -> shape [1]
    neutral_gain = jnp.take(W, jnp.asarray(neutral_idx, dtype=jnp.int32), axis=0)
    # table(x): gather rows -> [B, 1]
    table_result = jnp.take(W, x, axis=0) - neutral_gain
    return jnp.power(jnp.float32(2.0), table_result).astype(jnp.float32)

if __name__ == "__main__":
    import jax
    _d = setup_inputs()
    print(jax.jit(kernel)(*tuple(_d.values())))

</pallas_src>

<mosaic_0001>
#map = affine_map<(d0, d1) -> (0)>
module attributes {stable_mosaic.version = 14 : i64} {
  func.func @body(%arg0: i32, %arg1: i32, %arg2: memref<16384xi32, #tpu.memory_space<hbm>>, %arg3: memref<16xi32, #tpu.memory_space<hbm>>, %arg4: memref<999424xf32, #tpu.memory_space<hbm>>, %arg5: memref<1024xf32, #tpu.memory_space<hbm>>, %arg6: memref<16384xf32, #tpu.memory_space<hbm>>, %arg7: memref<528xi32, #tpu.memory_space<vmem>>, %arg8: memref<528xi32, #tpu.memory_space<vmem>>, %arg9: memref<528xf32, #tpu.memory_space<vmem>>, %arg10: memref<1024xf32, #tpu.memory_space<vmem>>, %arg11: memref<512xf32, #tpu.memory_space<vmem>>, %arg12: memref<!tpu.dma_semaphore, #tpu.memory_space<semaphore_mem>>, %arg13: memref<!tpu.dma_semaphore, #tpu.memory_space<semaphore_mem>>) attributes {dimension_semantics = [#tpu.dimension_semantics<core_parallel>, #tpu.dimension_semantics<subcore_parallel>], iteration_bounds = array<i64: 2, 16>, scalar_prefetch = 0 : i64, scratch_operands = 7 : i64, tpu.core_type = #tpu.core_type<sc_vector_subcore>, window_params = [{transform_indices = #map}, {transform_indices = #map}, {transform_indices = #map}, {transform_indices = #map}, {transform_indices = #map}]} {
    %mul3A = arith.constant 2 : i32
    %mul3A_0 = arith.muli %arg1, %mul3A : i32
    %add3A = arith.addi %mul3A_0, %arg0 : i32
    %mul3A_1 = arith.constant 512 : i32
    %mul3A_2 = arith.muli %add3A, %mul3A_1 : i32
    %dma_start3A = arith.constant 0 : i32
    %dma_start3A_3 = tpu.memref_slice %arg7[%dma_start3A] : memref<528xi32, #tpu.memory_space<vmem>> -> memref<512xi32, #tpu.memory_space<vmem>>
    %dma_start3A_4 = tpu.memref_slice %arg2[%mul3A_2] : memref<16384xi32, #tpu.memory_space<hbm>> -> memref<512xi32, #tpu.memory_space<hbm>>
    %dma_start3A_5 = arith.constant 0 : i32
    %dma_start3A_6 = tpu.memref_slice %arg7[%dma_start3A_5] : memref<528xi32, #tpu.memory_space<vmem>> -> memref<512xi32, #tpu.memory_space<vmem>>
    %dma_start3A_7 = tpu.memref_slice %arg2[%mul3A_2] : memref<16384xi32, #tpu.memory_space<hbm>> -> memref<512xi32, #tpu.memory_space<hbm>>
    tpu.enqueue_dma source(%dma_start3A_7 : memref<512xi32, #tpu.memory_space<hbm>>) target(%dma_start3A_6 : memref<512xi32, #tpu.memory_space<vmem>>) target_semaphore(%arg12 : memref<!tpu.dma_semaphore, #tpu.memory_space<semaphore_mem>>)
    %dma_start3A_8 = arith.constant 512 : i32
    %dma_start3A_9 = tpu.memref_slice %arg7[%dma_start3A_8] : memref<528xi32, #tpu.memory_space<vmem>> -> memref<16xi32, #tpu.memory_space<vmem>>
    %dma_start3A_10 = arith.constant 512 : i32
    %dma_start3A_11 = tpu.memref_slice %arg7[%dma_start3A_10] : memref<528xi32, #tpu.memory_space<vmem>> -> memref<16xi32, #tpu.memory_space<vmem>>
    tpu.enqueue_dma source(%arg3 : memref<16xi32, #tpu.memory_space<hbm>>) target(%dma_start3A_11 : memref<16xi32, #tpu.memory_space<vmem>>) target_semaphore(%arg12 : memref<!tpu.dma_semaphore, #tpu.memory_space<semaphore_mem>>)
    tpu.enqueue_dma source(%arg5 : memref<1024xf32, #tpu.memory_space<hbm>>) target(%arg10 : memref<1024xf32, #tpu.memory_space<vmem>>) target_semaphore(%arg12 : memref<!tpu.dma_semaphore, #tpu.memory_space<semaphore_mem>>)
    %dma_wait3A = arith.constant 0 : i32
    %dma_wait3A_12 = tpu.memref_slice %arg7[%dma_wait3A] : memref<528xi32, #tpu.memory_space<vmem>> -> memref<512xi32, #tpu.memory_space<vmem>>
    %dma_wait3A_13 = tpu.memref_slice %arg2[%mul3A_2] : memref<16384xi32, #tpu.memory_space<hbm>> -> memref<512xi32, #tpu.memory_space<hbm>>
    %dma_wait3A_14 = arith.constant 0 : i32
    %dma_wait3A_15 = tpu.memref_slice %arg7[%dma_wait3A_14] : memref<528xi32, #tpu.memory_space<vmem>> -> memref<512xi32, #tpu.memory_space<vmem>>
    %dma_wait3A_16 = tpu.memref_slice %arg2[%mul3A_2] : memref<16384xi32, #tpu.memory_space<hbm>> -> memref<512xi32, #tpu.memory_space<hbm>>
    tpu.wait_dma2 semaphore(%arg12 : memref<!tpu.dma_semaphore, #tpu.memory_space<semaphore_mem>>) src(%dma_wait3A_16 : memref<512xi32, #tpu.memory_space<hbm>>) dst(%dma_wait3A_15 : memref<512xi32, #tpu.memory_space<vmem>>)
    %dma_wait3A_17 = arith.constant 512 : i32
    %dma_wait3A_18 = tpu.memref_slice %arg7[%dma_wait3A_17] : memref<528xi32, #tpu.memory_space<vmem>> -> memref<16xi32, #tpu.memory_space<vmem>>
    %dma_wait3A_19 = arith.constant 512 : i32
    %dma_wait3A_20 = tpu.memref_slice %arg7[%dma_wait3A_19] : memref<528xi32, #tpu.memory_space<vmem>> -> memref<16xi32, #tpu.memory_space<vmem>>
    tpu.wait_dma2 semaphore(%arg12 : memref<!tpu.dma_semaphore, #tpu.memory_space<semaphore_mem>>) src(%arg3 : memref<16xi32, #tpu.memory_space<hbm>>) dst(%dma_wait3A_20 : memref<16xi32, #tpu.memory_space<vmem>>)
    %broadcast_in_dim3A = arith.constant 999423 : i32
    %broadcast_in_dim3A_21 = vector.broadcast %broadcast_in_dim3A : i32 to vector<16xi32>
    %get3A = arith.constant 0 : index
    %get3A_22 = tpu.vector_load %arg7[%get3A] {strides = array<i32>} : memref<528xi32, #tpu.memory_space<vmem>>, vector<16xi32>,
    %min3A = arith.minsi %get3A_22, %broadcast_in_dim3A_21 : vector<16xi32>
    %swap3A = arith.constant 0 : index
    %swap3A_23 = tpu.vector_load %arg8[%swap3A] {strides = array<i32>} : memref<528xi32, #tpu.memory_space<vmem>>, vector<16xi32>,
    tpu.vector_store %arg8[%swap3A], %min3A {strides = array<i32>} : memref<528xi32, #tpu.memory_space<vmem>>, vector<16xi32>,
    %get3A_24 = arith.constant 16 : index
    %get3A_25 = tpu.vector_load %arg7[%get3A_24] {strides = array<i32>} : memref<528xi32, #tpu.memory_space<vmem>>, vector<16xi32>,
    %min3A_26 = arith.minsi %get3A_25, %broadcast_in_dim3A_21 : vector<16xi32>
    %swap3A_27 = arith.constant 16 : index
    %swap3A_28 = tpu.vector_load %arg8[%swap3A_27] {strides = array<i32>} : memref<528xi32, #tpu.memory_space<vmem>>, vector<16xi32>,
    tpu.vector_store %arg8[%swap3A_27], %min3A_26 {strides = array<i32>} : memref<528xi32, #tpu.memory_space<vmem>>, vector<16xi32>,
    %get3A_29 = arith.constant 32 : index
    %get3A_30 = tpu.vector_load %arg7[%get3A_29] {strides = array<i32>} : memref<528xi32, #tpu.memory_space<vmem>>, vector<16xi32>,
    %min3A_31 = arith.minsi %get3A_30, %broadcast_in_dim3A_21 : vector<16xi32>
    %swap3A_32 = arith.constant 32 : index
    %swap3A_33 = tpu.vector_load %arg8[%swap3A_32] {strides = array<i32>} : memref<528xi32, #tpu.memory_space<vmem>>, vector<16xi32>,
    tpu.vector_store %arg8[%swap3A_32], %min3A_31 {strides = array<i32>} : memref<528xi32, #tpu.memory_space<vmem>>, vector<16xi32>,
    %get3A_34 = arith.constant 48 : index
    %get3A_35 = tpu.vector_load %arg7[%get3A_34] {strides = array<i32>} : memref<528xi32, #tpu.memory_space<vmem>>, vector<16xi32>,
    %min3A_36 = arith.minsi %get3A_35, %broadcast_in_dim3A_21 : vector<16xi32>
    %swap3A_37 = arith.constant 48 : index
    %swap3A_38 = tpu.vector_load %arg8[%swap3A_37] {strides = array<i32>} : memref<528xi32, #tpu.memory_space<vmem>>, vector<16xi32>,
    tpu.vector_store %arg8[%swap3A_37], %min3A_36 {strides = array<i32>} : memref<528xi32, #tpu.memory_space<vmem>>, vector<16xi32>,
    %get3A_39 = arith.constant 64 : index
    %get3A_40 = tpu.vector_load %arg7[%get3A_39] {strides = array<i32>} : memref<528xi32, #tpu.memory_space<vmem>>, vector<16xi32>,
    %min3A_41 = arith.minsi %get3A_40, %broadcast_in_dim3A_21 : vector<16xi32>
    %swap3A_42 = arith.constant 64 : index
    %swap3A_43 = tpu.vector_load %arg8[%swap3A_42] {strides = array<i32>} : memref<528xi32, #tpu.memory_space<vmem>>, vector<16xi32>,
    tpu.vector_store %arg8[%swap3A_42], %min3A_41 {strides = array<i32>} : memref<528xi32, #tpu.memory_space<vmem>>, vector<16xi32>,
    %get3A_44 = arith.constant 80 : index
    %get3A_45 = tpu.vector_load %arg7[%get3A_44] {strides = array<i32>} : memref<528xi32, #tpu.memory_space<vmem>>, vector<16xi32>,
    %min3A_46 = arith.minsi %get3A_45, %broadcast_in_dim3A_21 : vector<16xi32>
    %swap3A_47 = arith.constant 80 : index
    %swap3A_48 = tpu.vector_load %arg8[%swap3A_47] {strides = array<i32>} : memref<528xi32, #tpu.memory_space<vmem>>, vector<16xi32>,
    tpu.vector_store %arg8[%swap3A_47], %min3A_46 {strides = array<i32>} : memref<528xi32, #tpu.memory_space<vmem>>, vector<16xi32>,
    %get3A_49 = arith.constant 96 : index
    %get3A_50 = tpu.vector_load %arg7[%get3A_49] {strides = array<i32>} : memref<528xi32, #tpu.memory_space<vmem>>, vector<16xi32>,
    %min3A_51 = arith.minsi %get3A_50, %broadcast_in_dim3A_21 : vector<16xi32>
    %swap3A_52 = arith.constant 96 : index
    %swap3A_53 = tpu.vector_load %arg8[%swap3A_52] {strides = array<i32>} : memref<528xi32, #tpu.memory_space<vmem>>, vector<16xi32>,
    tpu.vector_store %arg8[%swap3A_52], %min3A_51 {strides = array<i32>} : memref<528xi32, #tpu.memory_space<vmem>>, vector<16xi32>,
    %get3A_54 = arith.constant 112 : index
    %get3A_55 = tpu.vector_load %arg7[%get3A_54] {strides = array<i32>} : memref<528xi32, #tpu.memory_space<vmem>>, vector<16xi32>,
    %min3A_56 = arith.minsi %get3A_55, %broadcast_in_dim3A_21 : vector<16xi32>
    %swap3A_57 = arith.constant 112 : index
    %swap3A_58 = tpu.vector_load %arg8[%swap3A_57] {strides = array<i32>} : memref<528xi32, #tpu.memory_space<vmem>>, vector<16xi32>,
    tpu.vector_store %arg8[%swap3A_57], %min3A_56 {strides = array<i32>} : memref<528xi32, #tpu.memory_space<vmem>>, vector<16xi32>,
    %get3A_59 = arith.constant 128 : index
    %get3A_60 = tpu.vector_load %arg7[%get3A_59] {strides = array<i32>} : memref<528xi32, #tpu.memory_space<vmem>>, vector<16xi32>,
    %min3A_61 = arith.minsi %get3A_60, %broadcast_in_dim3A_21 : vector<16xi32>
    %swap3A_62 = arith.constant 128 : index
    %swap3A_63 = tpu.vector_load %arg8[%swap3A_62] {strides = array<i32>} : memref<528xi32, #tpu.memory_space<vmem>>, vector<16xi32>,
    tpu.vector_store %arg8[%swap3A_62], %min3A_61 {strides = array<i32>} : memref<528xi32, #tpu.memory_space<vmem>>, vector<16xi32>,
    %get3A_64 = arith.constant 144 : index
    %get3A_65 = tpu.vector_load %arg7[%get3A_64] {strides = array<i32>} : memref<528xi32, #tpu.memory_space<vmem>>, vector<16xi32>,
    %min3A_66 = arith.minsi %get3A_65, %broadcast_in_dim3A_21 : vector<16xi32>
    %swap3A_67 = arith.constant 144 : index
    %swap3A_68 = tpu.vector_load %arg8[%swap3A_67] {strides = array<i32>} : memref<528xi32, #tpu.memory_space<vmem>>, vector<16xi32>,
    tpu.vector_store %arg8[%swap3A_67], %min3A_66 {strides = array<i32>} : memref<528xi32, #tpu.memory_space<vmem>>, vector<16xi32>,
    %get3A_69 = arith.constant 160 : index
    %get3A_70 = tpu.vector_load %arg7[%get3A_69] {strides = array<i32>} : memref<528xi32, #tpu.memory_space<vmem>>, vector<16xi32>,
    %min3A_71 = arith.minsi %get3A_70, %broadcast_in_dim3A_21 : vector<16xi32>
    %swap3A_72 = arith.constant 160 : index
    %swap3A_73 = tpu.vector_load %arg8[%swap3A_72] {strides = array<i32>} : memref<528xi32, #tpu.memory_space<vmem>>, vector<16xi32>,
    tpu.vector_store %arg8[%swap3A_72], %min3A_71 {strides = array<i32>} : memref<528xi32, #tpu.memory_space<vmem>>, vector<16xi32>,
    %get3A_74 = arith.constant 176 : index
    %get3A_75 = tpu.vector_load %arg7[%get3A_74] {strides = array<i32>} : memref<528xi32, #tpu.memory_space<vmem>>, vector<16xi32>,
    %min3A_76 = arith.minsi %get3A_75, %broadcast_in_dim3A_21 : vector<16xi32>
    %swap3A_77 = arith.constant 176 : index
    %swap3A_78 = tpu.vector_load %arg8[%swap3A_77] {strides = array<i32>} : memref<528xi32, #tpu.memory_space<vmem>>, vector<16xi32>,
    tpu.vector_store %arg8[%swap3A_77], %min3A_76 {strides = array<i32>} : memref<528xi32, #tpu.memory_space<vmem>>, vector<16xi32>,
    %get3A_79 = arith.constant 192 : index
    %get3A_80 = tpu.vector_load %arg7[%get3A_79] {strides = array<i32>} : memref<528xi32, #tpu.memory_space<vmem>>, vector<16xi32>,
    %min3A_81 = arith.minsi %get3A_80, %broadcast_in_dim3A_21 : vector<16xi32>
    %swap3A_82 = arith.constant 192 : index
    %swap3A_83 = tpu.vector_load %arg8[%swap3A_82] {strides = array<i32>} : memref<528xi32, #tpu.memory_space<vmem>>, vector<16xi32>,
    tpu.vector_store %arg8[%swap3A_82], %min3A_81 {strides = array<i32>} : memref<528xi32, #tpu.memory_space<vmem>>, vector<16xi32>,
    %get3A_84 = arith.constant 208 : index
    %get3A_85 = tpu.vector_load %arg7[%get3A_84] {strides = array<i32>} : memref<528xi32, #tpu.memory_space<vmem>>, vector<16xi32>,
    %min3A_86 = arith.minsi %get3A_85, %broadcast_in_dim3A_21 : vector<16xi32>
    %swap3A_87 = arith.constant 208 : index
    %swap3A_88 = tpu.vector_load %arg8[%swap3A_87] {strides = array<i32>} : memref<528xi32, #tpu.memory_space<vmem>>, vector<16xi32>,
    tpu.vector_store %arg8[%swap3A_87], %min3A_86 {strides = array<i32>} : memref<528xi32, #tpu.memory_space<vmem>>, vector<16xi32>,
    %get3A_89 = arith.constant 224 : index
    %get3A_90 = tpu.vector_load %arg7[%get3A_89] {strides = array<i32>} : memref<528xi32, #tpu.memory_space<vmem>>, vector<16xi32>,
    %min3A_91 = arith.minsi %get3A_90, %broadcast_in_dim3A_21 : vector<16xi32>
    %swap3A_92 = arith.constant 224 : index
    %swap3A_93 = tpu.vector_load %arg8[%swap3A_92] {strides = array<i32>} : memref<528xi32, #tpu.memory_space<vmem>>, vector<16xi32>,
    tpu.vector_store %arg8[%swap3A_92], %min3A_91 {strides = array<i32>} : memref<528xi32, #tpu.memory_space<vmem>>, vector<16xi32>,
    %get3A_94 = arith.constant 240 : index
    %get3A_95 = tpu.vector_load %arg7[%get3A_94] {strides = array<i32>} : memref<528xi32, #tpu.memory_space<vmem>>, vector<16xi32>,
    %min3A_96 = arith.minsi %get3A_95, %broadcast_in_dim3A_21 : vector<16xi32>
    %swap3A_97 = arith.constant 240 : index
    %swap3A_98 = tpu.vector_load %arg8[%swap3A_97] {strides = array<i32>} : memref<528xi32, #tpu.memory_space<vmem>>, vector<16xi32>,
    tpu.vector_store %arg8[%swap3A_97], %min3A_96 {strides = array<i32>} : memref<528xi32, #tpu.memory_space<vmem>>, vector<16xi32>,
    %get3A_99 = arith.constant 256 : index
    %get3A_100 = tpu.vector_load %arg7[%get3A_99] {strides = array<i32>} : memref<528xi32, #tpu.memory_space<vmem>>, vector<16xi32>,
    %min3A_101 = arith.minsi %get3A_100, %broadcast_in_dim3A_21 : vector<16xi32>
    %swap3A_102 = arith.constant 256 : index
    %swap3A_103 = tpu.vector_load %arg8[%swap3A_102] {strides = array<i32>} : memref<528xi32, #tpu.memory_space<vmem>>, vector<16xi32>,
    tpu.vector_store %arg8[%swap3A_102], %min3A_101 {strides = array<i32>} : memref<528xi32, #tpu.memory_space<vmem>>, vector<16xi32>,
    %get3A_104 = arith.constant 272 : index
    %get3A_105 = tpu.vector_load %arg7[%get3A_104] {strides = array<i32>} : memref<528xi32, #tpu.memory_space<vmem>>, vector<16xi32>,
    %min3A_106 = arith.minsi %get3A_105, %broadcast_in_dim3A_21 : vector<16xi32>
    %swap3A_107 = arith.constant 272 : index
    %swap3A_108 = tpu.vector_load %arg8[%swap3A_107] {strides = array<i32>} : memref<528xi32, #tpu.memory_space<vmem>>, vector<16xi32>,
    tpu.vector_store %arg8[%swap3A_107], %min3A_106 {strides = array<i32>} : memref<528xi32, #tpu.memory_space<vmem>>, vector<16xi32>,
    %get3A_109 = arith.constant 288 : index
    %get3A_110 = tpu.vector_load %arg7[%get3A_109] {strides = array<i32>} : memref<528xi32, #tpu.memory_space<vmem>>, vector<16xi32>,
    %min3A_111 = arith.minsi %get3A_110, %broadcast_in_dim3A_21 : vector<16xi32>
    %swap3A_112 = arith.constant 288 : index
    %swap3A_113 = tpu.vector_load %arg8[%swap3A_112] {strides = array<i32>} : memref<528xi32, #tpu.memory_space<vmem>>, vector<16xi32>,
    tpu.vector_store %arg8[%swap3A_112], %min3A_111 {strides = array<i32>} : memref<528xi32, #tpu.memory_space<vmem>>, vector<16xi32>,
    %get3A_114 = arith.constant 304 : index
    %get3A_115 = tpu.vector_load %arg7[%get3A_114] {strides = array<i32>} : memref<528xi32, #tpu.memory_space<vmem>>, vector<16xi32>,
    %min3A_116 = arith.minsi %get3A_115, %broadcast_in_dim3A_21 : vector<16xi32>
    %swap3A_117 = arith.constant 304 : index
    %swap3A_118 = tpu.vector_load %arg8[%swap3A_117] {strides = array<i32>} : memref<528xi32, #tpu.memory_space<vmem>>, vector<16xi32>,
    tpu.vector_store %arg8[%swap3A_117], %min3A_116 {strides = array<i32>} : memref<528xi32, #tpu.memory_space<vmem>>, vector<16xi32>,
    %get3A_119 = arith.constant 320 : index
    %get3A_120 = tpu.vector_load %arg7[%get3A_119] {strides = array<i32>} : memref<528xi32, #tpu.memory_space<vmem>>, vector<16xi32>,
    %min3A_121 = arith.minsi %get3A_120, %broadcast_in_dim3A_21 : vector<16xi32>
    %swap3A_122 = arith.constant 320 : index
    %swap3A_123 = tpu.vector_load %arg8[%swap3A_122] {strides = array<i32>} : memref<528xi32, #tpu.memory_space<vmem>>, vector<16xi32>,
    tpu.vector_store %arg8[%swap3A_122], %min3A_121 {strides = array<i32>} : memref<528xi32, #tpu.memory_space<vmem>>, vector<16xi32>,
    %get3A_124 = arith.constant 336 : index
    %get3A_125 = tpu.vector_load %arg7[%get3A_124] {strides = array<i32>} : memref<528xi32, #tpu.memory_space<vmem>>, vector<16xi32>,
    %min3A_126 = arith.minsi %get3A_125, %broadcast_in_dim3A_21 : vector<16xi32>
    %swap3A_127 = arith.constant 336 : index
    %swap3A_128 = tpu.vector_load %arg8[%swap3A_127] {strides = array<i32>} : memref<528xi32, #tpu.memory_space<vmem>>, vector<16xi32>,
    tpu.vector_store %arg8[%swap3A_127], %min3A_126 {strides = array<i32>} : memref<528xi32, #tpu.memory_space<vmem>>, vector<16xi32>,
    %get3A_129 = arith.constant 352 : index
    %get3A_130 = tpu.vector_load %arg7[%get3A_129] {strides = array<i32>} : memref<528xi32, #tpu.memory_space<vmem>>, vector<16xi32>,
    %min3A_131 = arith.minsi %get3A_130, %broadcast_in_dim3A_21 : vector<16xi32>
    %swap3A_132 = arith.constant 352 : index
    %swap3A_133 = tpu.vector_load %arg8[%swap3A_132] {strides = array<i32>} : memref<528xi32, #tpu.memory_space<vmem>>, vector<16xi32>,
    tpu.vector_store %arg8[%swap3A_132], %min3A_131 {strides = array<i32>} : memref<528xi32, #tpu.memory_space<vmem>>, vector<16xi32>,
    %get3A_134 = arith.constant 368 : index
    %get3A_135 = tpu.vector_load %arg7[%get3A_134] {strides = array<i32>} : memref<528xi32, #tpu.memory_space<vmem>>, vector<16xi32>,
    %min3A_136 = arith.minsi %get3A_135, %broadcast_in_dim3A_21 : vector<16xi32>
    %swap3A_137 = arith.constant 368 : index
    %swap3A_138 = tpu.vector_load %arg8[%swap3A_137] {strides = array<i32>} : memref<528xi32, #tpu.memory_space<vmem>>, vector<16xi32>,
    tpu.vector_store %arg8[%swap3A_137], %min3A_136 {strides = array<i32>} : memref<528xi32, #tpu.memory_space<vmem>>, vector<16xi32>,
    %get3A_139 = arith.constant 384 : index
    %get3A_140 = tpu.vector_load %arg7[%get3A_139] {strides = array<i32>} : memref<528xi32, #tpu.memory_space<vmem>>, vector<16xi32>,
    %min3A_141 = arith.minsi %get3A_140, %broadcast_in_dim3A_21 : vector<16xi32>
    %swap3A_142 = arith.constant 384 : index
    %swap3A_143 = tpu.vector_load %arg8[%swap3A_142] {strides = array<i32>} : memref<528xi32, #tpu.memory_space<vmem>>, vector<16xi32>,
    tpu.vector_store %arg8[%swap3A_142], %min3A_141 {strides = array<i32>} : memref<528xi32, #tpu.memory_space<vmem>>, vector<16xi32>,
    %get3A_144 = arith.constant 400 : index
    %get3A_145 = tpu.vector_load %arg7[%get3A_144] {strides = array<i32>} : memref<528xi32, #tpu.memory_space<vmem>>, vector<16xi32>,
    %min3A_146 = arith.minsi %get3A_145, %broadcast_in_dim3A_21 : vector<16xi32>
    %swap3A_147 = arith.constant 400 : index
    %swap3A_148 = tpu.vector_load %arg8[%swap3A_147] {strides = array<i32>} : memref<528xi32, #tpu.memory_space<vmem>>, vector<16xi32>,
    tpu.vector_store %arg8[%swap3A_147], %min3A_146 {strides = array<i32>} : memref<528xi32, #tpu.memory_space<vmem>>, vector<16xi32>,
    %get3A_149 = arith.constant 416 : index
    %get3A_150 = tpu.vector_load %arg7[%get3A_149] {strides = array<i32>} : memref<528xi32, #tpu.memory_space<vmem>>, vector<16xi32>,
    %min3A_151 = arith.minsi %get3A_150, %broadcast_in_dim3A_21 : vector<16xi32>
    %swap3A_152 = arith.constant 416 : index
    %swap3A_153 = tpu.vector_load %arg8[%swap3A_152] {strides = array<i32>} : memref<528xi32, #tpu.memory_space<vmem>>, vector<16xi32>,
    tpu.vector_store %arg8[%swap3A_152], %min3A_151 {strides = array<i32>} : memref<528xi32, #tpu.memory_space<vmem>>, vector<16xi32>,
    %get3A_154 = arith.constant 432 : index
    %get3A_155 = tpu.vector_load %arg7[%get3A_154] {strides = array<i32>} : memref<528xi32, #tpu.memory_space<vmem>>, vector<16xi32>,
    %min3A_156 = arith.minsi %get3A_155, %broadcast_in_dim3A_21 : vector<16xi32>
    %swap3A_157 = arith.constant 432 : index
    %swap3A_158 = tpu.vector_load %arg8[%swap3A_157] {strides = array<i32>} : memref<528xi32, #tpu.memory_space<vmem>>, vector<16xi32>,
    tpu.vector_store %arg8[%swap3A_157], %min3A_156 {strides = array<i32>} : memref<528xi32, #tpu.memory_space<vmem>>, vector<16xi32>,
    %get3A_159 = arith.constant 448 : index
    %get3A_160 = tpu.vector_load %arg7[%get3A_159] {strides = array<i32>} : memref<528xi32, #tpu.memory_space<vmem>>, vector<16xi32>,
    %min3A_161 = arith.minsi %get3A_160, %broadcast_in_dim3A_21 : vector<16xi32>
    %swap3A_162 = arith.constant 448 : index
    %swap3A_163 = tpu.vector_load %arg8[%swap3A_162] {strides = array<i32>} : memref<528xi32, #tpu.memory_space<vmem>>, vector<16xi32>,
    tpu.vector_store %arg8[%swap3A_162], %min3A_161 {strides = array<i32>} : memref<528xi32, #tpu.memory_space<vmem>>, vector<16xi32>,
    %get3A_164 = arith.constant 464 : index
    %get3A_165 = tpu.vector_load %arg7[%get3A_164] {strides = array<i32>} : memref<528xi32, #tpu.memory_space<vmem>>, vector<16xi32>,
    %min3A_166 = arith.minsi %get3A_165, %broadcast_in_dim3A_21 : vector<16xi32>
    %swap3A_167 = arith.constant 464 : index
    %swap3A_168 = tpu.vector_load %arg8[%swap3A_167] {strides = array<i32>} : memref<528xi32, #tpu.memory_space<vmem>>, vector<16xi32>,
    tpu.vector_store %arg8[%swap3A_167], %min3A_166 {strides = array<i32>} : memref<528xi32, #tpu.memory_space<vmem>>, vector<16xi32>,
    %get3A_169 = arith.constant 480 : index
    %get3A_170 = tpu.vector_load %arg7[%get3A_169] {strides = array<i32>} : memref<528xi32, #tpu.memory_space<vmem>>, vector<16xi32>,
    %min3A_171 = arith.minsi %get3A_170, %broadcast_in_dim3A_21 : vector<16xi32>
    %swap3A_172 = arith.constant 480 : index
    %swap3A_173 = tpu.vector_load %arg8[%swap3A_172] {strides = array<i32>} : memref<528xi32, #tpu.memory_space<vmem>>, vector<16xi32>,
    tpu.vector_store %arg8[%swap3A_172], %min3A_171 {strides = array<i32>} : memref<528xi32, #tpu.memory_space<vmem>>, vector<16xi32>,
    %get3A_174 = arith.constant 496 : index
    %get3A_175 = tpu.vector_load %arg7[%get3A_174] {strides = array<i32>} : memref<528xi32, #tpu.memory_space<vmem>>, vector<16xi32>,
    %min3A_176 = arith.minsi %get3A_175, %broadcast_in_dim3A_21 : vector<16xi32>
    %swap3A_177 = arith.constant 496 : index
    %swap3A_178 = tpu.vector_load %arg8[%swap3A_177] {strides = array<i32>} : memref<528xi32, #tpu.memory_space<vmem>>, vector<16xi32>,
    tpu.vector_store %arg8[%swap3A_177], %min3A_176 {strides = array<i32>} : memref<528xi32, #tpu.memory_space<vmem>>, vector<16xi32>,
    %get3A_179 = arith.constant 512 : index
    %get3A_180 = tpu.vector_load %arg7[%get3A_179] {strides = array<i32>} : memref<528xi32, #tpu.memory_space<vmem>>, vector<16xi32>,
    %min3A_181 = arith.minsi %get3A_180, %broadcast_in_dim3A_21 : vector<16xi32>
    %swap3A_182 = arith.constant 512 : index
    %swap3A_183 = tpu.vector_load %arg8[%swap3A_182] {strides = array<i32>} : memref<528xi32, #tpu.memory_space<vmem>>, vector<16xi32>,
    tpu.vector_store %arg8[%swap3A_182], %min3A_181 {strides = array<i32>} : memref<528xi32, #tpu.memory_space<vmem>>, vector<16xi32>,
    %dma_start3A_184 = arith.constant 0 : i32
    %dma_start3A_185 = tpu.memref_slice %arg4[%dma_start3A_184] : memref<999424xf32, #tpu.memory_space<hbm>> -> memref<999424xf32, #tpu.memory_space<hbm>>
    tpu.enqueue_indirect_dma source(%dma_start3A_185 : memref<999424xf32, #tpu.memory_space<hbm>>) target(%arg9 : memref<528xf32, #tpu.memory_space<vmem>>) offsets(%arg8 : memref<528xi32, #tpu.memory_space<vmem>>) semaphore(%arg13 : memref<!tpu.dma_semaphore, #tpu.memory_space<semaphore_mem>>)
    tpu.wait_dma2 semaphore(%arg12 : memref<!tpu.dma_semaphore, #tpu.memory_space<semaphore_mem>>) src(%arg5 : memref<1024xf32, #tpu.memory_space<hbm>>) dst(%arg10 : memref<1024xf32, #tpu.memory_space<vmem>>)
    %dma_wait3A_186 = arith.constant 0 : i32
    %dma_wait3A_187 = tpu.memref_slice %arg4[%dma_wait3A_186] : memref<999424xf32, #tpu.memory_space<hbm>> -> memref<999424xf32, #tpu.memory_space<hbm>>
    tpu.wait_indirect_dma semaphore(%arg13 : memref<!tpu.dma_semaphore, #tpu.memory_space<semaphore_mem>>) src(%dma_wait3A_187 : memref<999424xf32, #tpu.memory_space<hbm>>) dst(%arg9 : memref<528xf32, #tpu.memory_space<vmem>>)
    %broadcast_in_dim3A_188 = arith.constant 0 : i32
    %broadcast_in_dim3A_189 = vector.broadcast %broadcast_in_dim3A_188 : i32 to vector<16xi32>
    %get3A_190 = arith.constant 512 : index
    %get3A_191 = tpu.vector_load %arg7[%get3A_190] {strides = array<i32>} : memref<528xi32, #tpu.memory_space<vmem>>, vector<16xi32>,
    %sub3A = arith.constant 998976 : i32
    %sub3A_192 = vector.broadcast %sub3A : i32 to vector<16xi32>
    %sub3A_193 = arith.subi %get3A_191, %sub3A_192 : vector<16xi32>
    %max3A = arith.maxsi %sub3A_193, %broadcast_in_dim3A_189 : vector<16xi32>
    %gather3A = tpu.vector_load_idx %arg10[%max3A] : memref<1024xf32, #tpu.memory_space<vmem>>[vector<16xi32>], vector<16xf32>,
    %ge3A = arith.constant 999424 : i32
    %ge3A_194 = vector.broadcast %ge3A : i32 to vector<16xi32>
    %ge3A_195 = arith.cmpi sge, %get3A_191, %ge3A_194 : vector<16xi32>
    %get3A_196 = arith.constant 512 : index
    %get3A_197 = tpu.vector_load %arg9[%get3A_196] {strides = array<i32>} : memref<528xf32, #tpu.memory_space<vmem>>, vector<16xf32>,
    %select_n3A = arith.select %ge3A_195, %gather3A, %get3A_197 : vector<16xi1>, vector<16xf32>
    %get3A_198 = arith.constant 0 : index
    %get3A_199 = tpu.vector_load %arg7[%get3A_198] {strides = array<i32>} : memref<528xi32, #tpu.memory_space<vmem>>, vector<16xi32>,
    %sub3A_200 = arith.constant 998976 : i32
    %sub3A_201 = vector.broadcast %sub3A_200 : i32 to vector<16xi32>
    %sub3A_202 = arith.subi %get3A_199, %sub3A_201 : vector<16xi32>
    %max3A_203 = arith.maxsi %sub3A_202, %broadcast_in_dim3A_189 : vector<16xi32>
    %gather3A_204 = tpu.vector_load_idx %arg10[%max3A_203] : memref<1024xf32, #tpu.memory_space<vmem>>[vector<16xi32>], vector<16xf32>,
    %ge3A_205 = arith.constant 999424 : i32
    %ge3A_206 = vector.broadcast %ge3A_205 : i32 to vector<16xi32>
    %ge3A_207 = arith.cmpi sge, %get3A_199, %ge3A_206 : vector<16xi32>
    %get3A_208 = arith.constant 0 : index
    %get3A_209 = tpu.vector_load %arg9[%get3A_208] {strides = array<i32>} : memref<528xf32, #tpu.memory_space<vmem>>, vector<16xf32>,
    %select_n3A_210 = arith.select %ge3A_207, %gather3A_204, %get3A_209 : vector<16xi1>, vector<16xf32>
    %sub3A_211 = arith.subf %select_n3A_210, %select_n3A : vector<16xf32>
    %mul3A_212 = arith.constant 0.693147182 : f32
    %mul3A_213 = vector.broadcast %mul3A_212 : f32 to vector<16xf32>
    %mul3A_214 = arith.mulf %sub3A_211, %mul3A_213 : vector<16xf32>
    %exp3A = math.exp %mul3A_214 : vector<16xf32>
    %swap3A_215 = arith.constant 0 : index
    %swap3A_216 = tpu.vector_load %arg11[%swap3A_215] {strides = array<i32>} : memref<512xf32, #tpu.memory_space<vmem>>, vector<16xf32>,
    tpu.vector_store %arg11[%swap3A_215], %exp3A {strides = array<i32>} : memref<512xf32, #tpu.memory_space<vmem>>, vector<16xf32>,
    %get3A_217 = arith.constant 16 : index
    %get3A_218 = tpu.vector_load %arg7[%get3A_217] {strides = array<i32>} : memref<528xi32, #tpu.memory_space<vmem>>, vector<16xi32>,
    %sub3A_219 = arith.constant 998976 : i32
    %sub3A_220 = vector.broadcast %sub3A_219 : i32 to vector<16xi32>
    %sub3A_221 = arith.subi %get3A_218, %sub3A_220 : vector<16xi32>
    %max3A_222 = arith.maxsi %sub3A_221, %broadcast_in_dim3A_189 : vector<16xi32>
    %gather3A_223 = tpu.vector_load_idx %arg10[%max3A_222] : memref<1024xf32, #tpu.memory_space<vmem>>[vector<16xi32>], vector<16xf32>,
    %ge3A_224 = arith.constant 999424 : i32
    %ge3A_225 = vector.broadcast %ge3A_224 : i32 to vector<16xi32>
    %ge3A_226 = arith.cmpi sge, %get3A_218, %ge3A_225 : vector<16xi32>
    %get3A_227 = arith.constant 16 : index
    %get3A_228 = tpu.vector_load %arg9[%get3A_227] {strides = array<i32>} : memref<528xf32, #tpu.memory_space<vmem>>, vector<16xf32>,
    %select_n3A_229 = arith.select %ge3A_226, %gather3A_223, %get3A_228 : vector<16xi1>, vector<16xf32>
    %sub3A_230 = arith.subf %select_n3A_229, %select_n3A : vector<16xf32>
    %mul3A_231 = arith.constant 0.693147182 : f32
    %mul3A_232 = vector.broadcast %mul3A_231 : f32 to vector<16xf32>
    %mul3A_233 = arith.mulf %sub3A_230, %mul3A_232 : vector<16xf32>
    %exp3A_234 = math.exp %mul3A_233 : vector<16xf32>
    %swap3A_235 = arith.constant 16 : index
    %swap3A_236 = tpu.vector_load %arg11[%swap3A_235] {strides = array<i32>} : memref<512xf32, #tpu.memory_space<vmem>>, vector<16xf32>,
    tpu.vector_store %arg11[%swap3A_235], %exp3A_234 {strides = array<i32>} : memref<512xf32, #tpu.memory_space<vmem>>, vector<16xf32>,
    %get3A_237 = arith.constant 32 : index
    %get3A_238 = tpu.vector_load %arg7[%get3A_237] {strides = array<i32>} : memref<528xi32, #tpu.memory_space<vmem>>, vector<16xi32>,
    %sub3A_239 = arith.constant 998976 : i32
    %sub3A_240 = vector.broadcast %sub3A_239 : i32 to vector<16xi32>
    %sub3A_241 = arith.subi %get3A_238, %sub3A_240 : vector<16xi32>
    %max3A_242 = arith.maxsi %sub3A_241, %broadcast_in_dim3A_189 : vector<16xi32>
    %gather3A_243 = tpu.vector_load_idx %arg10[%max3A_242] : memref<1024xf32, #tpu.memory_space<vmem>>[vector<16xi32>], vector<16xf32>,
    %ge3A_244 = arith.constant 999424 : i32
    %ge3A_245 = vector.broadcast %ge3A_244 : i32 to vector<16xi32>
    %ge3A_246 = arith.cmpi sge, %get3A_238, %ge3A_245 : vector<16xi32>
    %get3A_247 = arith.constant 32 : index
    %get3A_248 = tpu.vector_load %arg9[%get3A_247] {strides = array<i32>} : memref<528xf32, #tpu.memory_space<vmem>>, vector<16xf32>,
    %select_n3A_249 = arith.select %ge3A_246, %gather3A_243, %get3A_248 : vector<16xi1>, vector<16xf32>
    %sub3A_250 = arith.subf %select_n3A_249, %select_n3A : vector<16xf32>
    %mul3A_251 = arith.constant 0.693147182 : f32
    %mul3A_252 = vector.broadcast %mul3A_251 : f32 to vector<16xf32>
    %mul3A_253 = arith.mulf %sub3A_250, %mul3A_252 : vector<16xf32>
    %exp3A_254 = math.exp %mul3A_253 : vector<16xf32>
    %swap3A_255 = arith.constant 32 : index
    %swap3A_256 = tpu.vector_load %arg11[%swap3A_255] {strides = array<i32>} : memref<512xf32, #tpu.memory_space<vmem>>, vector<16xf32>,
    tpu.vector_store %arg11[%swap3A_255], %exp3A_254 {strides = array<i32>} : memref<512xf32, #tpu.memory_space<vmem>>, vector<16xf32>,
    %get3A_257 = arith.constant 48 : index
    %get3A_258 = tpu.vector_load %arg7[%get3A_257] {strides = array<i32>} : memref<528xi32, #tpu.memory_space<vmem>>, vector<16xi32>,
    %sub3A_259 = arith.constant 998976 : i32
    %sub3A_260 = vector.broadcast %sub3A_259 : i32 to vector<16xi32>
    %sub3A_261 = arith.subi %get3A_258, %sub3A_260 : vector<16xi32>
    %max3A_262 = arith.maxsi %sub3A_261, %broadcast_in_dim3A_189 : vector<16xi32>
    %gather3A_263 = tpu.vector_load_idx %arg10[%max3A_262] : memref<1024xf32, #tpu.memory_space<vmem>>[vector<16xi32>], vector<16xf32>,
    %ge3A_264 = arith.constant 999424 : i32
    %ge3A_265 = vector.broadcast %ge3A_264 : i32 to vector<16xi32>
    %ge3A_266 = arith.cmpi sge, %get3A_258, %ge3A_265 : vector<16xi32>
    %get3A_267 = arith.constant 48 : index
    %get3A_268 = tpu.vector_load %arg9[%get3A_267] {strides = array<i32>} : memref<528xf32, #tpu.memory_space<vmem>>, vector<16xf32>,
    %select_n3A_269 = arith.select %ge3A_266, %gather3A_263, %get3A_268 : vector<16xi1>, vector<16xf32>
    %sub3A_270 = arith.subf %select_n3A_269, %select_n3A : vector<16xf32>
    %mul3A_271 = arith.constant 0.693147182 : f32
    %mul3A_272 = vector.broadcast %mul3A_271 : f32 to vector<16xf32>
    %mul3A_273 = arith.mulf %sub3A_270, %mul3A_272 : vector<16xf32>
    %exp3A_274 = math.exp %mul3A_273 : vector<16xf32>
    %swap3A_275 = arith.constant 48 : index
    %swap3A_276 = tpu.vector_load %arg11[%swap3A_275] {strides = array<i32>} : memref<512xf32, #tpu.memory_space<vmem>>, vector<16xf32>,
    tpu.vector_store %arg11[%swap3A_275], %exp3A_274 {strides = array<i32>} : memref<512xf32, #tpu.memory_space<vmem>>, vector<16xf32>,
    %get3A_277 = arith.constant 64 : index
    %get3A_278 = tpu.vector_load %arg7[%get3A_277] {strides = array<i32>} : memref<528xi32, #tpu.memory_space<vmem>>, vector<16xi32>,
    %sub3A_279 = arith.constant 998976 : i32
    %sub3A_280 = vector.broadcast %sub3A_279 : i32 to vector<16xi32>
    %sub3A_281 = arith.subi %get3A_278, %sub3A_280 : vector<16xi32>
    %max3A_282 = arith.maxsi %sub3A_281, %broadcast_in_dim3A_189 : vector<16xi32>
    %gather3A_283 = tpu.vector_load_idx %arg10[%max3A_282] : memref<1024xf32, #tpu.memory_space<vmem>>[vector<16xi32>], vector<16xf32>,
    %ge3A_284 = arith.constant 999424 : i32
    %ge3A_285 = vector.broadcast %ge3A_284 : i32 to vector<16xi32>
    %ge3A_286 = arith.cmpi sge, %get3A_278, %ge3A_285 : vector<16xi32>
    %get3A_287 = arith.constant 64 : index
    %get3A_288 = tpu.vector_load %arg9[%get3A_287] {strides = array<i32>} : memref<528xf32, #tpu.memory_space<vmem>>, vector<16xf32>,
    %select_n3A_289 = arith.select %ge3A_286, %gather3A_283, %get3A_288 : vector<16xi1>, vector<16xf32>
    %sub3A_290 = arith.subf %select_n3A_289, %select_n3A : vector<16xf32>
    %mul3A_291 = arith.constant 0.693147182 : f32
    %mul3A_292 = vector.broadcast %mul3A_291 : f32 to vector<16xf32>
    %mul3A_293 = arith.mulf %sub3A_290, %mul3A_292 : vector<16xf32>
    %exp3A_294 = math.exp %mul3A_293 : vector<16xf32>
    %swap3A_295 = arith.constant 64 : index
    %swap3A_296 = tpu.vector_load %arg11[%swap3A_295] {strides = array<i32>} : memref<512xf32, #tpu.memory_space<vmem>>, vector<16xf32>,
    tpu.vector_store %arg11[%swap3A_295], %exp3A_294 {strides = array<i32>} : memref<512xf32, #tpu.memory_space<vmem>>, vector<16xf32>,
    %get3A_297 = arith.constant 80 : index
    %get3A_298 = tpu.vector_load %arg7[%get3A_297] {strides = array<i32>} : memref<528xi32, #tpu.memory_space<vmem>>, vector<16xi32>,
    %sub3A_299 = arith.constant 998976 : i32
    %sub3A_300 = vector.broadcast %sub3A_299 : i32 to vector<16xi32>
    %sub3A_301 = arith.subi %get3A_298, %sub3A_300 : vector<16xi32>
    %max3A_302 = arith.maxsi %sub3A_301, %broadcast_in_dim3A_189 : vector<16xi32>
    %gather3A_303 = tpu.vector_load_idx %arg10[%max3A_302] : memref<1024xf32, #tpu.memory_space<vmem>>[vector<16xi32>], vector<16xf32>,
    %ge3A_304 = arith.constant 999424 : i32
    %ge3A_305 = vector.broadcast %ge3A_304 : i32 to vector<16xi32>
    %ge3A_306 = arith.cmpi sge, %get3A_298, %ge3A_305 : vector<16xi32>
    %get3A_307 = arith.constant 80 : index
    %get3A_308 = tpu.vector_load %arg9[%get3A_307] {strides = array<i32>} : memref<528xf32, #tpu.memory_space<vmem>>, vector<16xf32>,
    %select_n3A_309 = arith.select %ge3A_306, %gather3A_303, %get3A_308 : vector<16xi1>, vector<16xf32>
    %sub3A_310 = arith.subf %select_n3A_309, %select_n3A : vector<16xf32>
    %mul3A_311 = arith.constant 0.693147182 : f32
    %mul3A_312 = vector.broadcast %mul3A_311 : f32 to vector<16xf32>
    %mul3A_313 = arith.mulf %sub3A_310, %mul3A_312 : vector<16xf32>
    %exp3A_314 = math.exp %mul3A_313 : vector<16xf32>
    %swap3A_315 = arith.constant 80 : index
    %swap3A_316 = tpu.vector_load %arg11[%swap3A_315] {strides = array<i32>} : memref<512xf32, #tpu.memory_space<vmem>>, vector<16xf32>,
    tpu.vector_store %arg11[%swap3A_315], %exp3A_314 {strides = array<i32>} : memref<512xf32, #tpu.memory_space<vmem>>, vector<16xf32>,
    %get3A_317 = arith.constant 96 : index
    %get3A_318 = tpu.vector_load %arg7[%get3A_317] {strides = array<i32>} : memref<528xi32, #tpu.memory_space<vmem>>, vector<16xi32>,
    %sub3A_319 = arith.constant 998976 : i32
    %sub3A_320 = vector.broadcast %sub3A_319 : i32 to vector<16xi32>
    %sub3A_321 = arith.subi %get3A_318, %sub3A_320 : vector<16xi32>
    %max3A_322 = arith.maxsi %sub3A_321, %broadcast_in_dim3A_189 : vector<16xi32>
    %gather3A_323 = tpu.vector_load_idx %arg10[%max3A_322] : memref<1024xf32, #tpu.memory_space<vmem>>[vector<16xi32>], vector<16xf32>,
    %ge3A_324 = arith.constant 999424 : i32
    %ge3A_325 = vector.broadcast %ge3A_324 : i32 to vector<16xi32>
    %ge3A_326 = arith.cmpi sge, %get3A_318, %ge3A_325 : vector<16xi32>
    %get3A_327 = arith.constant 96 : index
    %get3A_328 = tpu.vector_load %arg9[%get3A_327] {strides = array<i32>} : memref<528xf32, #tpu.memory_space<vmem>>, vector<16xf32>,
    %select_n3A_329 = arith.select %ge3A_326, %gather3A_323, %get3A_328 : vector<16xi1>, vector<16xf32>
    %sub3A_330 = arith.subf %select_n3A_329, %select_n3A : vector<16xf32>
    %mul3A_331 = arith.constant 0.693147182 : f32
    %mul3A_332 = vector.broadcast %mul3A_331 : f32 to vector<16xf32>
    %mul3A_333 = arith.mulf %sub3A_330, %mul3A_332 : vector<16xf32>
    %exp3A_334 = math.exp %mul3A_333 : vector<16xf32>
    %swap3A_335 = arith.constant 96 : index
    %swap3A_336 = tpu.vector_load %arg11[%swap3A_335] {strides = array<i32>} : memref<512xf32, #tpu.memory_space<vmem>>, vector<16xf32>,
    tpu.vector_store %arg11[%swap3A_335], %exp3A_334 {strides = array<i32>} : memref<512xf32, #tpu.memory_space<vmem>>, vector<16xf32>,
    %get3A_337 = arith.constant 112 : index
    %get3A_338 = tpu.vector_load %arg7[%get3A_337] {strides = array<i32>} : memref<528xi32, #tpu.memory_space<vmem>>, vector<16xi32>,
    %sub3A_339 = arith.constant 998976 : i32
    %sub3A_340 = vector.broadcast %sub3A_339 : i32 to vector<16xi32>
    %sub3A_341 = arith.subi %get3A_338, %sub3A_340 : vector<16xi32>
    %max3A_342 = arith.maxsi %sub3A_341, %broadcast_in_dim3A_189 : vector<16xi32>
    %gather3A_343 = tpu.vector_load_idx %arg10[%max3A_342] : memref<1024xf32, #tpu.memory_space<vmem>>[vector<16xi32>], vector<16xf32>,
    %ge3A_344 = arith.constant 999424 : i32
    %ge3A_345 = vector.broadcast %ge3A_344 : i32 to vector<16xi32>
    %ge3A_346 = arith.cmpi sge, %get3A_338, %ge3A_345 : vector<16xi32>
    %get3A_347 = arith.constant 112 : index
    %get3A_348 = tpu.vector_load %arg9[%get3A_347] {strides = array<i32>} : memref<528xf32, #tpu.memory_space<vmem>>, vector<16xf32>,
    %select_n3A_349 = arith.select %ge3A_346, %gather3A_343, %get3A_348 : vector<16xi1>, vector<16xf32>
    %sub3A_350 = arith.subf %select_n3A_349, %select_n3A : vector<16xf32>
    %mul3A_351 = arith.constant 0.693147182 : f32
    %mul3A_352 = vector.broadcast %mul3A_351 : f32 to vector<16xf32>
    %mul3A_353 = arith.mulf %sub3A_350, %mul3A_352 : vector<16xf32>
    %exp3A_354 = math.exp %mul3A_353 : vector<16xf32>
    %swap3A_355 = arith.constant 112 : index
    %swap3A_356 = tpu.vector_load %arg11[%swap3A_355] {strides = array<i32>} : memref<512xf32, #tpu.memory_space<vmem>>, vector<16xf32>,
    tpu.vector_store %arg11[%swap3A_355], %exp3A_354 {strides = array<i32>} : memref<512xf32, #tpu.memory_space<vmem>>, vector<16xf32>,
    %get3A_357 = arith.constant 128 : index
    %get3A_358 = tpu.vector_load %arg7[%get3A_357] {strides = array<i32>} : memref<528xi32, #tpu.memory_space<vmem>>, vector<16xi32>,
    %sub3A_359 = arith.constant 998976 : i32
    %sub3A_360 = vector.broadcast %sub3A_359 : i32 to vector<16xi32>
    %sub3A_361 = arith.subi %get3A_358, %sub3A_360 : vector<16xi32>
    %max3A_362 = arith.maxsi %sub3A_361, %broadcast_in_dim3A_189 : vector<16xi32>
    %gather3A_363 = tpu.vector_load_idx %arg10[%max3A_362] : memref<1024xf32, #tpu.memory_space<vmem>>[vector<16xi32>], vector<16xf32>,
    %ge3A_364 = arith.constant 999424 : i32
    %ge3A_365 = vector.broadcast %ge3A_364 : i32 to vector<16xi32>
    %ge3A_366 = arith.cmpi sge, %get3A_358, %ge3A_365 : vector<16xi32>
    %get3A_367 = arith.constant 128 : index
    %get3A_368 = tpu.vector_load %arg9[%get3A_367] {strides = array<i32>} : memref<528xf32, #tpu.memory_space<vmem>>, vector<16xf32>,
    %select_n3A_369 = arith.select %ge3A_366, %gather3A_363, %get3A_368 : vector<16xi1>, vector<16xf32>
    %sub3A_370 = arith.subf %select_n3A_369, %select_n3A : vector<16xf32>
    %mul3A_371 = arith.constant 0.693147182 : f32
    %mul3A_372 = vector.broadcast %mul3A_371 : f32 to vector<16xf32>
    %mul3A_373 = arith.mulf %sub3A_370, %mul3A_372 : vector<16xf32>
    %exp3A_374 = math.exp %mul3A_373 : vector<16xf32>
    %swap3A_375 = arith.constant 128 : index
    %swap3A_376 = tpu.vector_load %arg11[%swap3A_375] {strides = array<i32>} : memref<512xf32, #tpu.memory_space<vmem>>, vector<16xf32>,
    tpu.vector_store %arg11[%swap3A_375], %exp3A_374 {strides = array<i32>} : memref<512xf32, #tpu.memory_space<vmem>>, vector<16xf32>,
    %get3A_377 = arith.constant 144 : index
    %get3A_378 = tpu.vector_load %arg7[%get3A_377] {strides = array<i32>} : memref<528xi32, #tpu.memory_space<vmem>>, vector<16xi32>,
    %sub3A_379 = arith.constant 998976 : i32
    %sub3A_380 = vector.broadcast %sub3A_379 : i32 to vector<16xi32>
    %sub3A_381 = arith.subi %get3A_378, %sub3A_380 : vector<16xi32>
    %max3A_382 = arith.maxsi %sub3A_381, %broadcast_in_dim3A_189 : vector<16xi32>
    %gather3A_383 = tpu.vector_load_idx %arg10[%max3A_382] : memref<1024xf32, #tpu.memory_space<vmem>>[vector<16xi32>], vector<16xf32>,
    %ge3A_384 = arith.constant 999424 : i32
    %ge3A_385 = vector.broadcast %ge3A_384 : i32 to vector<16xi32>
    %ge3A_386 = arith.cmpi sge, %get3A_378, %ge3A_385 : vector<16xi32>
    %get3A_387 = arith.constant 144 : index
    %get3A_388 = tpu.vector_load %arg9[%get3A_387] {strides = array<i32>} : memref<528xf32, #tpu.memory_space<vmem>>, vector<16xf32>,
    %select_n3A_389 = arith.select %ge3A_386, %gather3A_383, %get3A_388 : vector<16xi1>, vector<16xf32>
    %sub3A_390 = arith.subf %select_n3A_389, %select_n3A : vector<16xf32>
    %mul3A_391 = arith.constant 0.693147182 : f32
    %mul3A_392 = vector.broadcast %mul3A_391 : f32 to vector<16xf32>
    %mul3A_393 = arith.mulf %sub3A_390, %mul3A_392 : vector<16xf32>
    %exp3A_394 = math.exp %mul3A_393 : vector<16xf32>
    %swap3A_395 = arith.constant 144 : index
    %swap3A_396 = tpu.vector_load %arg11[%swap3A_395] {strides = array<i32>} : memref<512xf32, #tpu.memory_space<vmem>>, vector<16xf32>,
    tpu.vector_store %arg11[%swap3A_395], %exp3A_394 {strides = array<i32>} : memref<512xf32, #tpu.memory_space<vmem>>, vector<16xf32>,
    %get3A_397 = arith.constant 160 : index
    %get3A_398 = tpu.vector_load %arg7[%get3A_397] {strides = array<i32>} : memref<528xi32, #tpu.memory_space<vmem>>, vector<16xi32>,
    %sub3A_399 = arith.constant 998976 : i32
    %sub3A_400 = vector.broadcast %sub3A_399 : i32 to vector<16xi32>
    %sub3A_401 = arith.subi %get3A_398, %sub3A_400 : vector<16xi32>
    %max3A_402 = arith.maxsi %sub3A_401, %broadcast_in_dim3A_189 : vector<16xi32>
    %gather3A_403 = tpu.vector_load_idx %arg10[%max3A_402] : memref<1024xf32, #tpu.memory_space<vmem>>[vector<16xi32>], vector<16xf32>,
    %ge3A_404 = arith.constant 999424 : i32
    %ge3A_405 = vector.broadcast %ge3A_404 : i32 to vector<16xi32>
    %ge3A_406 = arith.cmpi sge, %get3A_398, %ge3A_405 : vector<16xi32>
    %get3A_407 = arith.constant 160 : index
    %get3A_408 = tpu.vector_load %arg9[%get3A_407] {strides = array<i32>} : memref<528xf32, #tpu.memory_space<vmem>>, vector<16xf32>,
    %select_n3A_409 = arith.select %ge3A_406, %gather3A_403, %get3A_408 : vector<16xi1>, vector<16xf32>
    %sub3A_410 = arith.subf %select_n3A_409, %select_n3A : vector<16xf32>
    %mul3A_411 = arith.constant 0.693147182 : f32
    %mul3A_412 = vector.broadcast %mul3A_411 : f32 to vector<16xf32>
    %mul3A_413 = arith.mulf %sub3A_410, %mul3A_412 : vector<16xf32>
    %exp3A_414 = math.exp %mul3A_413 : vector<16xf32>
    %swap3A_415 = arith.constant 160 : index
    %swap3A_416 = tpu.vector_load %arg11[%swap3A_415] {strides = array<i32>} : memref<512xf32, #tpu.memory_space<vmem>>, vector<16xf32>,
    tpu.vector_store %arg11[%swap3A_415], %exp3A_414 {strides = array<i32>} : memref<512xf32, #tpu.memory_space<vmem>>, vector<16xf32>,
    %get3A_417 = arith.constant 176 : index
    %get3A_418 = tpu.vector_load %arg7[%get3A_417] {strides = array<i32>} : memref<528xi32, #tpu.memory_space<vmem>>, vector<16xi32>,
    %sub3A_419 = arith.constant 998976 : i32
    %sub3A_420 = vector.broadcast %sub3A_419 : i32 to vector<16xi32>
    %sub3A_421 = arith.subi %get3A_418, %sub3A_420 : vector<16xi32>
    %max3A_422 = arith.maxsi %sub3A_421, %broadcast_in_dim3A_189 : vector<16xi32>
    %gather3A_423 = tpu.vector_load_idx %arg10[%max3A_422] : memref<1024xf32, #tpu.memory_space<vmem>>[vector<16xi32>], vector<16xf32>,
    %ge3A_424 = arith.constant 999424 : i32
    %ge3A_425 = vector.broadcast %ge3A_424 : i32 to vector<16xi32>
    %ge3A_426 = arith.cmpi sge, %get3A_418, %ge3A_425 : vector<16xi32>
    %get3A_427 = arith.constant 176 : index
    %get3A_428 = tpu.vector_load %arg9[%get3A_427] {strides = array<i32>} : memref<528xf32, #tpu.memory_space<vmem>>, vector<16xf32>,
    %select_n3A_429 = arith.select %ge3A_426, %gather3A_423, %get3A_428 : vector<16xi1>, vector<16xf32>
    %sub3A_430 = arith.subf %select_n3A_429, %select_n3A : vector<16xf32>
    %mul3A_431 = arith.constant 0.693147182 : f32
    %mul3A_432 = vector.broadcast %mul3A_431 : f32 to vector<16xf32>
    %mul3A_433 = arith.mulf %sub3A_430, %mul3A_432 : vector<16xf32>
    %exp3A_434 = math.exp %mul3A_433 : vector<16xf32>
    %swap3A_435 = arith.constant 176 : index
    %swap3A_436 = tpu.vector_load %arg11[%swap3A_435] {strides = array<i32>} : memref<512xf32, #tpu.memory_space<vmem>>, vector<16xf32>,
    tpu.vector_store %arg11[%swap3A_435], %exp3A_434 {strides = array<i32>} : memref<512xf32, #tpu.memory_space<vmem>>, vector<16xf32>,
    %get3A_437 = arith.constant 192 : index
    %get3A_438 = tpu.vector_load %arg7[%get3A_437] {strides = array<i32>} : memref<528xi32, #tpu.memory_space<vmem>>, vector<16xi32>,
    %sub3A_439 = arith.constant 998976 : i32
    %sub3A_440 = vector.broadcast %sub3A_439 : i32 to vector<16xi32>
    %sub3A_441 = arith.subi %get3A_438, %sub3A_440 : vector<16xi32>
    %max3A_442 = arith.maxsi %sub3A_441, %broadcast_in_dim3A_189 : vector<16xi32>
    %gather3A_443 = tpu.vector_load_idx %arg10[%max3A_442] : memref<1024xf32, #tpu.memory_space<vmem>>[vector<16xi32>], vector<16xf32>,
    %ge3A_444 = arith.constant 999424 : i32
    %ge3A_445 = vector.broadcast %ge3A_444 : i32 to vector<16xi32>
    %ge3A_446 = arith.cmpi sge, %get3A_438, %ge3A_445 : vector<16xi32>
    %get3A_447 = arith.constant 192 : index
    %get3A_448 = tpu.vector_load %arg9[%get3A_447] {strides = array<i32>} : memref<528xf32, #tpu.memory_space<vmem>>, vector<16xf32>,
    %select_n3A_449 = arith.select %ge3A_446, %gather3A_443, %get3A_448 : vector<16xi1>, vector<16xf32>
    %sub3A_450 = arith.subf %select_n3A_449, %select_n3A : vector<16xf32>
    %mul3A_451 = arith.constant 0.693147182 : f32
    %mul3A_452 = vector.broadcast %mul3A_451 : f32 to vector<16xf32>
    %mul3A_453 = arith.mulf %sub3A_450, %mul3A_452 : vector<16xf32>
    %exp3A_454 = math.exp %mul3A_453 : vector<16xf32>
    %swap3A_455 = arith.constant 192 : index
    %swap3A_456 = tpu.vector_load %arg11[%swap3A_455] {strides = array<i32>} : memref<512xf32, #tpu.memory_space<vmem>>, vector<16xf32>,
    tpu.vector_store %arg11[%swap3A_455], %exp3A_454 {strides = array<i32>} : memref<512xf32, #tpu.memory_space<vmem>>, vector<16xf32>,
    %get3A_457 = arith.constant 208 : index
    %get3A_458 = tpu.vector_load %arg7[%get3A_457] {strides = array<i32>} : memref<528xi32, #tpu.memory_space<vmem>>, vector<16xi32>,
    %sub3A_459 = arith.constant 998976 : i32
    %sub3A_460 = vector.broadcast %sub3A_459 : i32 to vector<16xi32>
    %sub3A_461 = arith.subi %get3A_458, %sub3A_460 : vector<16xi32>
    %max3A_462 = arith.maxsi %sub3A_461, %broadcast_in_dim3A_189 : vector<16xi32>
    %gather3A_463 = tpu.vector_load_idx %arg10[%max3A_462] : memref<1024xf32, #tpu.memory_space<vmem>>[vector<16xi32>], vector<16xf32>,
    %ge3A_464 = arith.constant 999424 : i32
    %ge3A_465 = vector.broadcast %ge3A_464 : i32 to vector<16xi32>
    %ge3A_466 = arith.cmpi sge, %get3A_458, %ge3A_465 : vector<16xi32>
    %get3A_467 = arith.constant 208 : index
    %get3A_468 = tpu.vector_load %arg9[%get3A_467] {strides = array<i32>} : memref<528xf32, #tpu.memory_space<vmem>>, vector<16xf32>,
    %select_n3A_469 = arith.select %ge3A_466, %gather3A_463, %get3A_468 : vector<16xi1>, vector<16xf32>
    %sub3A_470 = arith.subf %select_n3A_469, %select_n3A : vector<16xf32>
    %mul3A_471 = arith.constant 0.693147182 : f32
    %mul3A_472 = vector.broadcast %mul3A_471 : f32 to vector<16xf32>
    %mul3A_473 = arith.mulf %sub3A_470, %mul3A_472 : vector<16xf32>
    %exp3A_474 = math.exp %mul3A_473 : vector<16xf32>
    %swap3A_475 = arith.constant 208 : index
    %swap3A_476 = tpu.vector_load %arg11[%swap3A_475] {strides = array<i32>} : memref<512xf32, #tpu.memory_space<vmem>>, vector<16xf32>,
    tpu.vector_store %arg11[%swap3A_475], %exp3A_474 {strides = array<i32>} : memref<512xf32, #tpu.memory_space<vmem>>, vector<16xf32>,
    %get3A_477 = arith.constant 224 : index
    %get3A_478 = tpu.vector_load %arg7[%get3A_477] {strides = array<i32>} : memref<528xi32, #tpu.memory_space<vmem>>, vector<16xi32>,
    %sub3A_479 = arith.constant 998976 : i32
    %sub3A_480 = vector.broadcast %sub3A_479 : i32 to vector<16xi32>
    %sub3A_481 = arith.subi %get3A_478, %sub3A_480 : vector<16xi32>
    %max3A_482 = arith.maxsi %sub3A_481, %broadcast_in_dim3A_189 : vector<16xi32>
    %gather3A_483 = tpu.vector_load_idx %arg10[%max3A_482] : memref<1024xf32, #tpu.memory_space<vmem>>[vector<16xi32>], vector<16xf32>,
    %ge3A_484 = arith.constant 999424 : i32
    %ge3A_485 = vector.broadcast %ge3A_484 : i32 to vector<16xi32>
    %ge3A_486 = arith.cmpi sge, %get3A_478, %ge3A_485 : vector<16xi32>
    %get3A_487 = arith.constant 224 : index
    %get3A_488 = tpu.vector_load %arg9[%get3A_487] {strides = array<i32>} : memref<528xf32, #tpu.memory_space<vmem>>, vector<16xf32>,
    %select_n3A_489 = arith.select %ge3A_486, %gather3A_483, %get3A_488 : vector<16xi1>, vector<16xf32>
    %sub3A_490 = arith.subf %select_n3A_489, %select_n3A : vector<16xf32>
    %mul3A_491 = arith.constant 0.693147182 : f32
    %mul3A_492 = vector.broadcast %mul3A_491 : f32 to vector<16xf32>
    %mul3A_493 = arith.mulf %sub3A_490, %mul3A_492 : vector<16xf32>
    %exp3A_494 = math.exp %mul3A_493 : vector<16xf32>
    %swap3A_495 = arith.constant 224 : index
    %swap3A_496 = tpu.vector_load %arg11[%swap3A_495] {strides = array<i32>} : memref<512xf32, #tpu.memory_space<vmem>>, vector<16xf32>,
    tpu.vector_store %arg11[%swap3A_495], %exp3A_494 {strides = array<i32>} : memref<512xf32, #tpu.memory_space<vmem>>, vector<16xf32>,
    %get3A_497 = arith.constant 240 : index
    %get3A_498 = tpu.vector_load %arg7[%get3A_497] {strides = array<i32>} : memref<528xi32, #tpu.memory_space<vmem>>, vector<16xi32>,
    %sub3A_499 = arith.constant 998976 : i32
    %sub3A_500 = vector.broadcast %sub3A_499 : i32 to vector<16xi32>
    %sub3A_501 = arith.subi %get3A_498, %sub3A_500 : vector<16xi32>
    %max3A_502 = arith.maxsi %sub3A_501, %broadcast_in_dim3A_189 : vector<16xi32>
    %gather3A_503 = tpu.vector_load_idx %arg10[%max3A_502] : memref<1024xf32, #tpu.memory_space<vmem>>[vector<16xi32>], vector<16xf32>,
    %ge3A_504 = arith.constant 999424 : i32
    %ge3A_505 = vector.broadcast %ge3A_504 : i32 to vector<16xi32>
    %ge3A_506 = arith.cmpi sge, %get3A_498, %ge3A_505 : vector<16xi32>
    %get3A_507 = arith.constant 240 : index
    %get3A_508 = tpu.vector_load %arg9[%get3A_507] {strides = array<i32>} : memref<528xf32, #tpu.memory_space<vmem>>, vector<16xf32>,
    %select_n3A_509 = arith.select %ge3A_506, %gather3A_503, %get3A_508 : vector<16xi1>, vector<16xf32>
    %sub3A_510 = arith.subf %select_n3A_509, %select_n3A : vector<16xf32>
    %mul3A_511 = arith.constant 0.693147182 : f32
    %mul3A_512 = vector.broadcast %mul3A_511 : f32 to vector<16xf32>
    %mul3A_513 = arith.mulf %sub3A_510, %mul3A_512 : vector<16xf32>
    %exp3A_514 = math.exp %mul3A_513 : vector<16xf32>
    %swap3A_515 = arith.constant 240 : index
    %swap3A_516 = tpu.vector_load %arg11[%swap3A_515] {strides = array<i32>} : memref<512xf32, #tpu.memory_space<vmem>>, vector<16xf32>,
    tpu.vector_store %arg11[%swap3A_515], %exp3A_514 {strides = array<i32>} : memref<512xf32, #tpu.memory_space<vmem>>, vector<16xf32>,
    %get3A_517 = arith.constant 256 : index
    %get3A_518 = tpu.vector_load %arg7[%get3A_517] {strides = array<i32>} : memref<528xi32, #tpu.memory_space<vmem>>, vector<16xi32>,
    %sub3A_519 = arith.constant 998976 : i32
    %sub3A_520 = vector.broadcast %sub3A_519 : i32 to vector<16xi32>
    %sub3A_521 = arith.subi %get3A_518, %sub3A_520 : vector<16xi32>
    %max3A_522 = arith.maxsi %sub3A_521, %broadcast_in_dim3A_189 : vector<16xi32>
    %gather3A_523 = tpu.vector_load_idx %arg10[%max3A_522] : memref<1024xf32, #tpu.memory_space<vmem>>[vector<16xi32>], vector<16xf32>,
    %ge3A_524 = arith.constant 999424 : i32
    %ge3A_525 = vector.broadcast %ge3A_524 : i32 to vector<16xi32>
    %ge3A_526 = arith.cmpi sge, %get3A_518, %ge3A_525 : vector<16xi32>
    %get3A_527 = arith.constant 256 : index
    %get3A_528 = tpu.vector_load %arg9[%get3A_527] {strides = array<i32>} : memref<528xf32, #tpu.memory_space<vmem>>, vector<16xf32>,
    %select_n3A_529 = arith.select %ge3A_526, %gather3A_523, %get3A_528 : vector<16xi1>, vector<16xf32>
    %sub3A_530 = arith.subf %select_n3A_529, %select_n3A : vector<16xf32>
    %mul3A_531 = arith.constant 0.693147182 : f32
    %mul3A_532 = vector.broadcast %mul3A_531 : f32 to vector<16xf32>
    %mul3A_533 = arith.mulf %sub3A_530, %mul3A_532 : vector<16xf32>
    %exp3A_534 = math.exp %mul3A_533 : vector<16xf32>
    %swap3A_535 = arith.constant 256 : index
    %swap3A_536 = tpu.vector_load %arg11[%swap3A_535] {strides = array<i32>} : memref<512xf32, #tpu.memory_space<vmem>>, vector<16xf32>,
    tpu.vector_store %arg11[%swap3A_535], %exp3A_534 {strides = array<i32>} : memref<512xf32, #tpu.memory_space<vmem>>, vector<16xf32>,
    %get3A_537 = arith.constant 272 : index
    %get3A_538 = tpu.vector_load %arg7[%get3A_537] {strides = array<i32>} : memref<528xi32, #tpu.memory_space<vmem>>, vector<16xi32>,
    %sub3A_539 = arith.constant 998976 : i32
    %sub3A_540 = vector.broadcast %sub3A_539 : i32 to vector<16xi32>
    %sub3A_541 = arith.subi %get3A_538, %sub3A_540 : vector<16xi32>
    %max3A_542 = arith.maxsi %sub3A_541, %broadcast_in_dim3A_189 : vector<16xi32>
    %gather3A_543 = tpu.vector_load_idx %arg10[%max3A_542] : memref<1024xf32, #tpu.memory_space<vmem>>[vector<16xi32>], vector<16xf32>,
    %ge3A_544 = arith.constant 999424 : i32
    %ge3A_545 = vector.broadcast %ge3A_544 : i32 to vector<16xi32>
    %ge3A_546 = arith.cmpi sge, %get3A_538, %ge3A_545 : vector<16xi32>
    %get3A_547 = arith.constant 272 : index
    %get3A_548 = tpu.vector_load %arg9[%get3A_547] {strides = array<i32>} : memref<528xf32, #tpu.memory_space<vmem>>, vector<16xf32>,
    %select_n3A_549 = arith.select %ge3A_546, %gather3A_543, %get3A_548 : vector<16xi1>, vector<16xf32>
    %sub3A_550 = arith.subf %select_n3A_549, %select_n3A : vector<16xf32>
    %mul3A_551 = arith.constant 0.693147182 : f32
    %mul3A_552 = vector.broadcast %mul3A_551 : f32 to vector<16xf32>
    %mul3A_553 = arith.mulf %sub3A_550, %mul3A_552 : vector<16xf32>
    %exp3A_554 = math.exp %mul3A_553 : vector<16xf32>
    %swap3A_555 = arith.constant 272 : index
    %swap3A_556 = tpu.vector_load %arg11[%swap3A_555] {strides = array<i32>} : memref<512xf32, #tpu.memory_space<vmem>>, vector<16xf32>,
    tpu.vector_store %arg11[%swap3A_555], %exp3A_554 {strides = array<i32>} : memref<512xf32, #tpu.memory_space<vmem>>, vector<16xf32>,
    %get3A_557 = arith.constant 288 : index
    %get3A_558 = tpu.vector_load %arg7[%get3A_557] {strides = array<i32>} : memref<528xi32, #tpu.memory_space<vmem>>, vector<16xi32>,
    %sub3A_559 = arith.constant 998976 : i32
    %sub3A_560 = vector.broadcast %sub3A_559 : i32 to vector<16xi32>
    %sub3A_561 = arith.subi %get3A_558, %sub3A_560 : vector<16xi32>
    %max3A_562 = arith.maxsi %sub3A_561, %broadcast_in_dim3A_189 : vector<16xi32>
    %gather3A_563 = tpu.vector_load_idx %arg10[%max3A_562] : memref<1024xf32, #tpu.memory_space<vmem>>[vector<16xi32>], vector<16xf32>,
    %ge3A_564 = arith.constant 999424 : i32
    %ge3A_565 = vector.broadcast %ge3A_564 : i32 to vector<16xi32>
    %ge3A_566 = arith.cmpi sge, %get3A_558, %ge3A_565 : vector<16xi32>
    %get3A_567 = arith.constant 288 : index
    %get3A_568 = tpu.vector_load %arg9[%get3A_567] {strides = array<i32>} : memref<528xf32, #tpu.memory_space<vmem>>, vector<16xf32>,
    %select_n3A_569 = arith.select %ge3A_566, %gather3A_563, %get3A_568 : vector<16xi1>, vector<16xf32>
    %sub3A_570 = arith.subf %select_n3A_569, %select_n3A : vector<16xf32>
    %mul3A_571 = arith.constant 0.693147182 : f32
    %mul3A_572 = vector.broadcast %mul3A_571 : f32 to vector<16xf32>
    %mul3A_573 = arith.mulf %sub3A_570, %mul3A_572 : vector<16xf32>
    %exp3A_574 = math.exp %mul3A_573 : vector<16xf32>
    %swap3A_575 = arith.constant 288 : index
    %swap3A_576 = tpu.vector_load %arg11[%swap3A_575] {strides = array<i32>} : memref<512xf32, #tpu.memory_space<vmem>>, vector<16xf32>,
    tpu.vector_store %arg11[%swap3A_575], %exp3A_574 {strides = array<i32>} : memref<512xf32, #tpu.memory_space<vmem>>, vector<16xf32>,
    %get3A_577 = arith.constant 304 : index
    %get3A_578 = tpu.vector_load %arg7[%get3A_577] {strides = array<i32>} : memref<528xi32, #tpu.memory_space<vmem>>, vector<16xi32>,
    %sub3A_579 = arith.constant 998976 : i32
    %sub3A_580 = vector.broadcast %sub3A_579 : i32 to vector<16xi32>
    %sub3A_581 = arith.subi %get3A_578, %sub3A_580 : vector<16xi32>
    %max3A_582 = arith.maxsi %sub3A_581, %broadcast_in_dim3A_189 : vector<16xi32>
    %gather3A_583 = tpu.vector_load_idx %arg10[%max3A_582] : memref<1024xf32, #tpu.memory_space<vmem>>[vector<16xi32>], vector<16xf32>,
    %ge3A_584 = arith.constant 999424 : i32
    %ge3A_585 = vector.broadcast %ge3A_584 : i32 to vector<16xi32>
    %ge3A_586 = arith.cmpi sge, %get3A_578, %ge3A_585 : vector<16xi32>
    %get3A_587 = arith.constant 304 : index
    %get3A_588 = tpu.vector_load %arg9[%get3A_587] {strides = array<i32>} : memref<528xf32, #tpu.memory_space<vmem>>, vector<16xf32>,
    %select_n3A_589 = arith.select %ge3A_586, %gather3A_583, %get3A_588 : vector<16xi1>, vector<16xf32>
    %sub3A_590 = arith.subf %select_n3A_589, %select_n3A : vector<16xf32>
    %mul3A_591 = arith.constant 0.693147182 : f32
    %mul3A_592 = vector.broadcast %mul3A_591 : f32 to vector<16xf32>
    %mul3A_593 = arith.mulf %sub3A_590, %mul3A_592 : vector<16xf32>
    %exp3A_594 = math.exp %mul3A_593 : vector<16xf32>
    %swap3A_595 = arith.constant 304 : index
    %swap3A_596 = tpu.vector_load %arg11[%swap3A_595] {strides = array<i32>} : memref<512xf32, #tpu.memory_space<vmem>>, vector<16xf32>,
    tpu.vector_store %arg11[%swap3A_595], %exp3A_594 {strides = array<i32>} : memref<512xf32, #tpu.memory_space<vmem>>, vector<16xf32>,
    %get3A_597 = arith.constant 320 : index
    %get3A_598 = tpu.vector_load %arg7[%get3A_597] {strides = array<i32>} : memref<528xi32, #tpu.memory_space<vmem>>, vector<16xi32>,
    %sub3A_599 = arith.constant 998976 : i32
    %sub3A_600 = vector.broadcast %sub3A_599 : i32 to vector<16xi32>
    %sub3A_601 = arith.subi %get3A_598, %sub3A_600 : vector<16xi32>
    %max3A_602 = arith.maxsi %sub3A_601, %broadcast_in_dim3A_189 : vector<16xi32>
    %gather3A_603 = tpu.vector_load_idx %arg10[%max3A_602] : memref<1024xf32, #tpu.memory_space<vmem>>[vector<16xi32>], vector<16xf32>,
    %ge3A_604 = arith.constant 999424 : i32
    %ge3A_605 = vector.broadcast %ge3A_604 : i32 to vector<16xi32>
    %ge3A_606 = arith.cmpi sge, %get3A_598, %ge3A_605 : vector<16xi32>
    %get3A_607 = arith.constant 320 : index
    %get3A_608 = tpu.vector_load %arg9[%get3A_607] {strides = array<i32>} : memref<528xf32, #tpu.memory_space<vmem>>, vector<16xf32>,
    %select_n3A_609 = arith.select %ge3A_606, %gather3A_603, %get3A_608 : vector<16xi1>, vector<16xf32>
    %sub3A_610 = arith.subf %select_n3A_609, %select_n3A : vector<16xf32>
    %mul3A_611 = arith.constant 0.693147182 : f32
    %mul3A_612 = vector.broadcast %mul3A_611 : f32 to vector<16xf32>
    %mul3A_613 = arith.mulf %sub3A_610, %mul3A_612 : vector<16xf32>
    %exp3A_614 = math.exp %mul3A_613 : vector<16xf32>
    %swap3A_615 = arith.constant 320 : index
    %swap3A_616 = tpu.vector_load %arg11[%swap3A_615] {strides = array<i32>} : memref<512xf32, #tpu.memory_space<vmem>>, vector<16xf32>,
    tpu.vector_store %arg11[%swap3A_615], %exp3A_614 {strides = array<i32>} : memref<512xf32, #tpu.memory_space<vmem>>, vector<16xf32>,
    %get3A_617 = arith.constant 336 : index
    %get3A_618 = tpu.vector_load %arg7[%get3A_617] {strides = array<i32>} : memref<528xi32, #tpu.memory_space<vmem>>, vector<16xi32>,
    %sub3A_619 = arith.constant 998976 : i32
    %sub3A_620 = vector.broadcast %sub3A_619 : i32 to vector<16xi32>
    %sub3A_621 = arith.subi %get3A_618, %sub3A_620 : vector<16xi32>
    %max3A_622 = arith.maxsi %sub3A_621, %broadcast_in_dim3A_189 : vector<16xi32>
    %gather3A_623 = tpu.vector_load_idx %arg10[%max3A_622] : memref<1024xf32, #tpu.memory_space<vmem>>[vector<16xi32>], vector<16xf32>,
    %ge3A_624 = arith.constant 999424 : i32
    %ge3A_625 = vector.broadcast %ge3A_624 : i32 to vector<16xi32>
    %ge3A_626 = arith.cmpi sge, %get3A_618, %ge3A_625 : vector<16xi32>
    %get3A_627 = arith.constant 336 : index
    %get3A_628 = tpu.vector_load %arg9[%get3A_627] {strides = array<i32>} : memref<528xf32, #tpu.memory_space<vmem>>, vector<16xf32>,
    %select_n3A_629 = arith.select %ge3A_626, %gather3A_623, %get3A_628 : vector<16xi1>, vector<16xf32>
    %sub3A_630 = arith.subf %select_n3A_629, %select_n3A : vector<16xf32>
    %mul3A_631 = arith.constant 0.693147182 : f32
    %mul3A_632 = vector.broadcast %mul3A_631 : f32 to vector<16xf32>
    %mul3A_633 = arith.mulf %sub3A_630, %mul3A_632 : vector<16xf32>
    %exp3A_634 = math.exp %mul3A_633 : vector<16xf32>
    %swap3A_635 = arith.constant 336 : index
    %swap3A_636 = tpu.vector_load %arg11[%swap3A_635] {strides = array<i32>} : memref<512xf32, #tpu.memory_space<vmem>>, vector<16xf32>,
    tpu.vector_store %arg11[%swap3A_635], %exp3A_634 {strides = array<i32>} : memref<512xf32, #tpu.memory_space<vmem>>, vector<16xf32>,
    %get3A_637 = arith.constant 352 : index
    %get3A_638 = tpu.vector_load %arg7[%get3A_637] {strides = array<i32>} : memref<528xi32, #tpu.memory_space<vmem>>, vector<16xi32>,
    %sub3A_639 = arith.constant 998976 : i32
    %sub3A_640 = vector.broadcast %sub3A_639 : i32 to vector<16xi32>
    %sub3A_641 = arith.subi %get3A_638, %sub3A_640 : vector<16xi32>
    %max3A_642 = arith.maxsi %sub3A_641, %broadcast_in_dim3A_189 : vector<16xi32>
    %gather3A_643 = tpu.vector_load_idx %arg10[%max3A_642] : memref<1024xf32, #tpu.memory_space<vmem>>[vector<16xi32>], vector<16xf32>,
    %ge3A_644 = arith.constant 999424 : i32
    %ge3A_645 = vector.broadcast %ge3A_644 : i32 to vector<16xi32>
    %ge3A_646 = arith.cmpi sge, %get3A_638, %ge3A_645 : vector<16xi32>
    %get3A_647 = arith.constant 352 : index
    %get3A_648 = tpu.vector_load %arg9[%get3A_647] {strides = array<i32>} : memref<528xf32, #tpu.memory_space<vmem>>, vector<16xf32>,
    %select_n3A_649 = arith.select %ge3A_646, %gather3A_643, %get3A_648 : vector<16xi1>, vector<16xf32>
    %sub3A_650 = arith.subf %select_n3A_649, %select_n3A : vector<16xf32>
    %mul3A_651 = arith.constant 0.693147182 : f32
    %mul3A_652 = vector.broadcast %mul3A_651 : f32 to vector<16xf32>
    %mul3A_653 = arith.mulf %sub3A_650, %mul3A_652 : vector<16xf32>
    %exp3A_654 = math.exp %mul3A_653 : vector<16xf32>
    %swap3A_655 = arith.constant 352 : index
    %swap3A_656 = tpu.vector_load %arg11[%swap3A_655] {strides = array<i32>} : memref<512xf32, #tpu.memory_space<vmem>>, vector<16xf32>,
    tpu.vector_store %arg11[%swap3A_655], %exp3A_654 {strides = array<i32>} : memref<512xf32, #tpu.memory_space<vmem>>, vector<16xf32>,
    %get3A_657 = arith.constant 368 : index
    %get3A_658 = tpu.vector_load %arg7[%get3A_657] {strides = array<i32>} : memref<528xi32, #tpu.memory_space<vmem>>, vector<16xi32>,
    %sub3A_659 = arith.constant 998976 : i32
    %sub3A_660 = vector.broadcast %sub3A_659 : i32 to vector<16xi32>
    %sub3A_661 = arith.subi %get3A_658, %sub3A_660 : vector<16xi32>
    %max3A_662 = arith.maxsi %sub3A_661, %broadcast_in_dim3A_189 : vector<16xi32>
    %gather3A_663 = tpu.vector_load_idx %arg10[%max3A_662] : memref<1024xf32, #tpu.memory_space<vmem>>[vector<16xi32>], vector<16xf32>,
    %ge3A_664 = arith.constant 999424 : i32
    %ge3A_665 = vector.broadcast %ge3A_664 : i32 to vector<16xi32>
    %ge3A_666 = arith.cmpi sge, %get3A_658, %ge3A_665 : vector<16xi32>
    %get3A_667 = arith.constant 368 : index
    %get3A_668 = tpu.vector_load %arg9[%get3A_667] {strides = array<i32>} : memref<528xf32, #tpu.memory_space<vmem>>, vector<16xf32>,
    %select_n3A_669 = arith.select %ge3A_666, %gather3A_663, %get3A_668 : vector<16xi1>, vector<16xf32>
    %sub3A_670 = arith.subf %select_n3A_669, %select_n3A : vector<16xf32>
    %mul3A_671 = arith.constant 0.693147182 : f32
    %mul3A_672 = vector.broadcast %mul3A_671 : f32 to vector<16xf32>
    %mul3A_673 = arith.mulf %sub3A_670, %mul3A_672 : vector<16xf32>
    %exp3A_674 = math.exp %mul3A_673 : vector<16xf32>
    %swap3A_675 = arith.constant 368 : index
    %swap3A_676 = tpu.vector_load %arg11[%swap3A_675] {strides = array<i32>} : memref<512xf32, #tpu.memory_space<vmem>>, vector<16xf32>,
    tpu.vector_store %arg11[%swap3A_675], %exp3A_674 {strides = array<i32>} : memref<512xf32, #tpu.memory_space<vmem>>, vector<16xf32>,
    %get3A_677 = arith.constant 384 : index
    %get3A_678 = tpu.vector_load %arg7[%get3A_677] {strides = array<i32>} : memref<528xi32, #tpu.memory_space<vmem>>, vector<16xi32>,
    %sub3A_679 = arith.constant 998976 : i32
    %sub3A_680 = vector.broadcast %sub3A_679 : i32 to vector<16xi32>
    %sub3A_681 = arith.subi %get3A_678, %sub3A_680 : vector<16xi32>
    %max3A_682 = arith.maxsi %sub3A_681, %broadcast_in_dim3A_189 : vector<16xi32>
    %gather3A_683 = tpu.vector_load_idx %arg10[%max3A_682] : memref<1024xf32, #tpu.memory_space<vmem>>[vector<16xi32>], vector<16xf32>,
    %ge3A_684 = arith.constant 999424 : i32
    %ge3A_685 = vector.broadcast %ge3A_684 : i32 to vector<16xi32>
    %ge3A_686 = arith.cmpi sge, %get3A_678, %ge3A_685 : vector<16xi32>
    %get3A_687 = arith.constant 384 : index
    %get3A_688 = tpu.vector_load %arg9[%get3A_687] {strides = array<i32>} : memref<528xf32, #tpu.memory_space<vmem>>, vector<16xf32>,
    %select_n3A_689 = arith.select %ge3A_686, %gather3A_683, %get3A_688 : vector<16xi1>, vector<16xf32>
    %sub3A_690 = arith.subf %select_n3A_689, %select_n3A : vector<16xf32>
    %mul3A_691 = arith.constant 0.693147182 : f32
    %mul3A_692 = vector.broadcast %mul3A_691 : f32 to vector<16xf32>
    %mul3A_693 = arith.mulf %sub3A_690, %mul3A_692 : vector<16xf32>
    %exp3A_694 = math.exp %mul3A_693 : vector<16xf32>
    %swap3A_695 = arith.constant 384 : index
    %swap3A_696 = tpu.vector_load %arg11[%swap3A_695] {strides = array<i32>} : memref<512xf32, #tpu.memory_space<vmem>>, vector<16xf32>,
    tpu.vector_store %arg11[%swap3A_695], %exp3A_694 {strides = array<i32>} : memref<512xf32, #tpu.memory_space<vmem>>, vector<16xf32>,
    %get3A_697 = arith.constant 400 : index
    %get3A_698 = tpu.vector_load %arg7[%get3A_697] {strides = array<i32>} : memref<528xi32, #tpu.memory_space<vmem>>, vector<16xi32>,
    %sub3A_699 = arith.constant 998976 : i32
    %sub3A_700 = vector.broadcast %sub3A_699 : i32 to vector<16xi32>
    %sub3A_701 = arith.subi %get3A_698, %sub3A_700 : vector<16xi32>
    %max3A_702 = arith.maxsi %sub3A_701, %broadcast_in_dim3A_189 : vector<16xi32>
    %gather3A_703 = tpu.vector_load_idx %arg10[%max3A_702] : memref<1024xf32, #tpu.memory_space<vmem>>[vector<16xi32>], vector<16xf32>,
    %ge3A_704 = arith.constant 999424 : i32
    %ge3A_705 = vector.broadcast %ge3A_704 : i32 to vector<16xi32>
    %ge3A_706 = arith.cmpi sge, %get3A_698, %ge3A_705 : vector<16xi32>
    %get3A_707 = arith.constant 400 : index
    %get3A_708 = tpu.vector_load %arg9[%get3A_707] {strides = array<i32>} : memref<528xf32, #tpu.memory_space<vmem>>, vector<16xf32>,
    %select_n3A_709 = arith.select %ge3A_706, %gather3A_703, %get3A_708 : vector<16xi1>, vector<16xf32>
    %sub3A_710 = arith.subf %select_n3A_709, %select_n3A : vector<16xf32>
    %mul3A_711 = arith.constant 0.693147182 : f32
    %mul3A_712 = vector.broadcast %mul3A_711 : f32 to vector<16xf32>
    %mul3A_713 = arith.mulf %sub3A_710, %mul3A_712 : vector<16xf32>
    %exp3A_714 = math.exp %mul3A_713 : vector<16xf32>
    %swap3A_715 = arith.constant 400 : index
    %swap3A_716 = tpu.vector_load %arg11[%swap3A_715] {strides = array<i32>} : memref<512xf32, #tpu.memory_space<vmem>>, vector<16xf32>,
    tpu.vector_store %arg11[%swap3A_715], %exp3A_714 {strides = array<i32>} : memref<512xf32, #tpu.memory_space<vmem>>, vector<16xf32>,
    %get3A_717 = arith.constant 416 : index
    %get3A_718 = tpu.vector_load %arg7[%get3A_717] {strides = array<i32>} : memref<528xi32, #tpu.memory_space<vmem>>, vector<16xi32>,
    %sub3A_719 = arith.constant 998976 : i32
    %sub3A_720 = vector.broadcast %sub3A_719 : i32 to vector<16xi32>
    %sub3A_721 = arith.subi %get3A_718, %sub3A_720 : vector<16xi32>
    %max3A_722 = arith.maxsi %sub3A_721, %broadcast_in_dim3A_189 : vector<16xi32>
    %gather3A_723 = tpu.vector_load_idx %arg10[%max3A_722] : memref<1024xf32, #tpu.memory_space<vmem>>[vector<16xi32>], vector<16xf32>,
    %ge3A_724 = arith.constant 999424 : i32
    %ge3A_725 = vector.broadcast %ge3A_724 : i32 to vector<16xi32>
    %ge3A_726 = arith.cmpi sge, %get3A_718, %ge3A_725 : vector<16xi32>
    %get3A_727 = arith.constant 416 : index
    %get3A_728 = tpu.vector_load %arg9[%get3A_727] {strides = array<i32>} : memref<528xf32, #tpu.memory_space<vmem>>, vector<16xf32>,
    %select_n3A_729 = arith.select %ge3A_726, %gather3A_723, %get3A_728 : vector<16xi1>, vector<16xf32>
    %sub3A_730 = arith.subf %select_n3A_729, %select_n3A : vector<16xf32>
    %mul3A_731 = arith.constant 0.693147182 : f32
    %mul3A_732 = vector.broadcast %mul3A_731 : f32 to vector<16xf32>
    %mul3A_733 = arith.mulf %sub3A_730, %mul3A_732 : vector<16xf32>
    %exp3A_734 = math.exp %mul3A_733 : vector<16xf32>
    %swap3A_735 = arith.constant 416 : index
    %swap3A_736 = tpu.vector_load %arg11[%swap3A_735] {strides = array<i32>} : memref<512xf32, #tpu.memory_space<vmem>>, vector<16xf32>,
    tpu.vector_store %arg11[%swap3A_735], %exp3A_734 {strides = array<i32>} : memref<512xf32, #tpu.memory_space<vmem>>, vector<16xf32>,
    %get3A_737 = arith.constant 432 : index
    %get3A_738 = tpu.vector_load %arg7[%get3A_737] {strides = array<i32>} : memref<528xi32, #tpu.memory_space<vmem>>, vector<16xi32>,
    %sub3A_739 = arith.constant 998976 : i32
    %sub3A_740 = vector.broadcast %sub3A_739 : i32 to vector<16xi32>
    %sub3A_741 = arith.subi %get3A_738, %sub3A_740 : vector<16xi32>
    %max3A_742 = arith.maxsi %sub3A_741, %broadcast_in_dim3A_189 : vector<16xi32>
    %gather3A_743 = tpu.vector_load_idx %arg10[%max3A_742] : memref<1024xf32, #tpu.memory_space<vmem>>[vector<16xi32>], vector<16xf32>,
    %ge3A_744 = arith.constant 999424 : i32
    %ge3A_745 = vector.broadcast %ge3A_744 : i32 to vector<16xi32>
    %ge3A_746 = arith.cmpi sge, %get3A_738, %ge3A_745 : vector<16xi32>
    %get3A_747 = arith.constant 432 : index
    %get3A_748 = tpu.vector_load %arg9[%get3A_747] {strides = array<i32>} : memref<528xf32, #tpu.memory_space<vmem>>, vector<16xf32>,
    %select_n3A_749 = arith.select %ge3A_746, %gather3A_743, %get3A_748 : vector<16xi1>, vector<16xf32>
    %sub3A_750 = arith.subf %select_n3A_749, %select_n3A : vector<16xf32>
    %mul3A_751 = arith.constant 0.693147182 : f32
    %mul3A_752 = vector.broadcast %mul3A_751 : f32 to vector<16xf32>
    %mul3A_753 = arith.mulf %sub3A_750, %mul3A_752 : vector<16xf32>
    %exp3A_754 = math.exp %mul3A_753 : vector<16xf32>
    %swap3A_755 = arith.constant 432 : index
    %swap3A_756 = tpu.vector_load %arg11[%swap3A_755] {strides = array<i32>} : memref<512xf32, #tpu.memory_space<vmem>>, vector<16xf32>,
    tpu.vector_store %arg11[%swap3A_755], %exp3A_754 {strides = array<i32>} : memref<512xf32, #tpu.memory_space<vmem>>, vector<16xf32>,
    %get3A_757 = arith.constant 448 : index
    %get3A_758 = tpu.vector_load %arg7[%get3A_757] {strides = array<i32>} : memref<528xi32, #tpu.memory_space<vmem>>, vector<16xi32>,
    %sub3A_759 = arith.constant 998976 : i32
    %sub3A_760 = vector.broadcast %sub3A_759 : i32 to vector<16xi32>
    %sub3A_761 = arith.subi %get3A_758, %sub3A_760 : vector<16xi32>
    %max3A_762 = arith.maxsi %sub3A_761, %broadcast_in_dim3A_189 : vector<16xi32>
    %gather3A_763 = tpu.vector_load_idx %arg10[%max3A_762] : memref<1024xf32, #tpu.memory_space<vmem>>[vector<16xi32>], vector<16xf32>,
    %ge3A_764 = arith.constant 999424 : i32
    %ge3A_765 = vector.broadcast %ge3A_764 : i32 to vector<16xi32>
    %ge3A_766 = arith.cmpi sge, %get3A_758, %ge3A_765 : vector<16xi32>
    %get3A_767 = arith.constant 448 : index
    %get3A_768 = tpu.vector_load %arg9[%get3A_767] {strides = array<i32>} : memref<528xf32, #tpu.memory_space<vmem>>, vector<16xf32>,
    %select_n3A_769 = arith.select %ge3A_766, %gather3A_763, %get3A_768 : vector<16xi1>, vector<16xf32>
    %sub3A_770 = arith.subf %select_n3A_769, %select_n3A : vector<16xf32>
    %mul3A_771 = arith.constant 0.693147182 : f32
    %mul3A_772 = vector.broadcast %mul3A_771 : f32 to vector<16xf32>
    %mul3A_773 = arith.mulf %sub3A_770, %mul3A_772 : vector<16xf32>
    %exp3A_774 = math.exp %mul3A_773 : vector<16xf32>
    %swap3A_775 = arith.constant 448 : index
    %swap3A_776 = tpu.vector_load %arg11[%swap3A_775] {strides = array<i32>} : memref<512xf32, #tpu.memory_space<vmem>>, vector<16xf32>,
    tpu.vector_store %arg11[%swap3A_775], %exp3A_774 {strides = array<i32>} : memref<512xf32, #tpu.memory_space<vmem>>, vector<16xf32>,
    %get3A_777 = arith.constant 464 : index
    %get3A_778 = tpu.vector_load %arg7[%get3A_777] {strides = array<i32>} : memref<528xi32, #tpu.memory_space<vmem>>, vector<16xi32>,
    %sub3A_779 = arith.constant 998976 : i32
    %sub3A_780 = vector.broadcast %sub3A_779 : i32 to vector<16xi32>
    %sub3A_781 = arith.subi %get3A_778, %sub3A_780 : vector<16xi32>
    %max3A_782 = arith.maxsi %sub3A_781, %broadcast_in_dim3A_189 : vector<16xi32>
    %gather3A_783 = tpu.vector_load_idx %arg10[%max3A_782] : memref<1024xf32, #tpu.memory_space<vmem>>[vector<16xi32>], vector<16xf32>,
    %ge3A_784 = arith.constant 999424 : i32
    %ge3A_785 = vector.broadcast %ge3A_784 : i32 to vector<16xi32>
    %ge3A_786 = arith.cmpi sge, %get3A_778, %ge3A_785 : vector<16xi32>
    %get3A_787 = arith.constant 464 : index
    %get3A_788 = tpu.vector_load %arg9[%get3A_787] {strides = array<i32>} : memref<528xf32, #tpu.memory_space<vmem>>, vector<16xf32>,
    %select_n3A_789 = arith.select %ge3A_786, %gather3A_783, %get3A_788 : vector<16xi1>, vector<16xf32>
    %sub3A_790 = arith.subf %select_n3A_789, %select_n3A : vector<16xf32>
    %mul3A_791 = arith.constant 0.693147182 : f32
    %mul3A_792 = vector.broadcast %mul3A_791 : f32 to vector<16xf32>
    %mul3A_793 = arith.mulf %sub3A_790, %mul3A_792 : vector<16xf32>
    %exp3A_794 = math.exp %mul3A_793 : vector<16xf32>
    %swap3A_795 = arith.constant 464 : index
    %swap3A_796 = tpu.vector_load %arg11[%swap3A_795] {strides = array<i32>} : memref<512xf32, #tpu.memory_space<vmem>>, vector<16xf32>,
    tpu.vector_store %arg11[%swap3A_795], %exp3A_794 {strides = array<i32>} : memref<512xf32, #tpu.memory_space<vmem>>, vector<16xf32>,
    %get3A_797 = arith.constant 480 : index
    %get3A_798 = tpu.vector_load %arg7[%get3A_797] {strides = array<i32>} : memref<528xi32, #tpu.memory_space<vmem>>, vector<16xi32>,
    %sub3A_799 = arith.constant 998976 : i32
    %sub3A_800 = vector.broadcast %sub3A_799 : i32 to vector<16xi32>
    %sub3A_801 = arith.subi %get3A_798, %sub3A_800 : vector<16xi32>
    %max3A_802 = arith.maxsi %sub3A_801, %broadcast_in_dim3A_189 : vector<16xi32>
    %gather3A_803 = tpu.vector_load_idx %arg10[%max3A_802] : memref<1024xf32, #tpu.memory_space<vmem>>[vector<16xi32>], vector<16xf32>,
    %ge3A_804 = arith.constant 999424 : i32
    %ge3A_805 = vector.broadcast %ge3A_804 : i32 to vector<16xi32>
    %ge3A_806 = arith.cmpi sge, %get3A_798, %ge3A_805 : vector<16xi32>
    %get3A_807 = arith.constant 480 : index
    %get3A_808 = tpu.vector_load %arg9[%get3A_807] {strides = array<i32>} : memref<528xf32, #tpu.memory_space<vmem>>, vector<16xf32>,
    %select_n3A_809 = arith.select %ge3A_806, %gather3A_803, %get3A_808 : vector<16xi1>, vector<16xf32>
    %sub3A_810 = arith.subf %select_n3A_809, %select_n3A : vector<16xf32>
    %mul3A_811 = arith.constant 0.693147182 : f32
    %mul3A_812 = vector.broadcast %mul3A_811 : f32 to vector<16xf32>
    %mul3A_813 = arith.mulf %sub3A_810, %mul3A_812 : vector<16xf32>
    %exp3A_814 = math.exp %mul3A_813 : vector<16xf32>
    %swap3A_815 = arith.constant 480 : index
    %swap3A_816 = tpu.vector_load %arg11[%swap3A_815] {strides = array<i32>} : memref<512xf32, #tpu.memory_space<vmem>>, vector<16xf32>,
    tpu.vector_store %arg11[%swap3A_815], %exp3A_814 {strides = array<i32>} : memref<512xf32, #tpu.memory_space<vmem>>, vector<16xf32>,
    %get3A_817 = arith.constant 496 : index
    %get3A_818 = tpu.vector_load %arg7[%get3A_817] {strides = array<i32>} : memref<528xi32, #tpu.memory_space<vmem>>, vector<16xi32>,
    %sub3A_819 = arith.constant 998976 : i32
    %sub3A_820 = vector.broadcast %sub3A_819 : i32 to vector<16xi32>
    %sub3A_821 = arith.subi %get3A_818, %sub3A_820 : vector<16xi32>
    %max3A_822 = arith.maxsi %sub3A_821, %broadcast_in_dim3A_189 : vector<16xi32>
    %gather3A_823 = tpu.vector_load_idx %arg10[%max3A_822] : memref<1024xf32, #tpu.memory_space<vmem>>[vector<16xi32>], vector<16xf32>,
    %ge3A_824 = arith.constant 999424 : i32
    %ge3A_825 = vector.broadcast %ge3A_824 : i32 to vector<16xi32>
    %ge3A_826 = arith.cmpi sge, %get3A_818, %ge3A_825 : vector<16xi32>
    %get3A_827 = arith.constant 496 : index
    %get3A_828 = tpu.vector_load %arg9[%get3A_827] {strides = array<i32>} : memref<528xf32, #tpu.memory_space<vmem>>, vector<16xf32>,
    %select_n3A_829 = arith.select %ge3A_826, %gather3A_823, %get3A_828 : vector<16xi1>, vector<16xf32>
    %sub3A_830 = arith.subf %select_n3A_829, %select_n3A : vector<16xf32>
    %mul3A_831 = arith.constant 0.693147182 : f32
    %mul3A_832 = vector.broadcast %mul3A_831 : f32 to vector<16xf32>
    %mul3A_833 = arith.mulf %sub3A_830, %mul3A_832 : vector<16xf32>
    %exp3A_834 = math.exp %mul3A_833 : vector<16xf32>
    %swap3A_835 = arith.constant 496 : index
    %swap3A_836 = tpu.vector_load %arg11[%swap3A_835] {strides = array<i32>} : memref<512xf32, #tpu.memory_space<vmem>>, vector<16xf32>,
    tpu.vector_store %arg11[%swap3A_835], %exp3A_834 {strides = array<i32>} : memref<512xf32, #tpu.memory_space<vmem>>, vector<16xf32>,
    "tpu.region"() ({
      %run_scoped3A = tpu.sem_alloc : memref<!tpu.dma_semaphore, #tpu.memory_space<semaphore_mem>>
      %dma_start3A_837 = tpu.memref_slice %arg6[%mul3A_2] : memref<16384xf32, #tpu.memory_space<hbm>> -> memref<512xf32, #tpu.memory_space<hbm>>
      %dma_start3A_838 = tpu.memref_slice %arg6[%mul3A_2] : memref<16384xf32, #tpu.memory_space<hbm>> -> memref<512xf32, #tpu.memory_space<hbm>>
      tpu.enqueue_dma source(%arg11 : memref<512xf32, #tpu.memory_space<vmem>>) target(%dma_start3A_838 : memref<512xf32, #tpu.memory_space<hbm>>) target_semaphore(%run_scoped3A : memref<!tpu.dma_semaphore, #tpu.memory_space<semaphore_mem>>)
      %dma_wait3A_839 = tpu.memref_slice %arg6[%mul3A_2] : memref<16384xf32, #tpu.memory_space<hbm>> -> memref<512xf32, #tpu.memory_space<hbm>>
      %dma_wait3A_840 = tpu.memref_slice %arg6[%mul3A_2] : memref<16384xf32, #tpu.memory_space<hbm>> -> memref<512xf32, #tpu.memory_space<hbm>>
      tpu.wait_dma2 semaphore(%run_scoped3A : memref<!tpu.dma_semaphore, #tpu.memory_space<semaphore_mem>>) src(%arg11 : memref<512xf32, #tpu.memory_space<vmem>>) dst(%dma_wait3A_840 : memref<512xf32, #tpu.memory_space<hbm>>)
      tpu.yield
    }) : () -> ()
    return
  }
}

</mosaic_0001>

<sc_bundles>
// kernel: _gain.3.cloned.1.call-start
scs
__scs_entry_jumppad:
0x0: {  	(pc) =	sbr.rel $0x88, $3  }
0x1: {  	(tag) =	ssettag $0x0;
	lr =	simm.s32 $0x1  }
0x2: {  	[smem:$0x3F9D] =	sst lr;
	_ =	strace $0xD0000000  }
0x3: {  	_ = 	snop  }
0x4: {  	_ = 	snop  }
0x5: {  	_ = 	snop  }
0x6: {  	_ = 	snop  }
0x7: {  	_ = 	snop  }
__scs_overlays_trampoline_lowered:
0x8: {  	[smem:$0x3FAC] =	sst s0  }
0x9: {  	[smem:$0x3FAD] =	sst s1  }
0xa: {  	[smem:$0x3FAE] =	sst s2  }
0xb: {  	[smem:$0x3FAF] =	sst s3  }
0xc: {  	[smem:$0x3FB0] =	sst s4  }
0xd: {  	[smem:$0x3FB1] =	sst s5  }
0xe: {  	[smem:$0x3FB2] =	sst s6  }
0xf: {  	[smem:$0x3FB3] =	sst s7  }
0x10: {  	[smem:$0x3FB4] =	sst s8  }
0x11: {  	[smem:$0x3FB5] =	sst s9;
	s0 =	simm.s32 @!p0 $0x0  }
0x12: {  	s1 =	sld [smem:$0x3F9B];
	s0 =	simm.s32 @p0 $0x1  }
0x13: {  	[smem:$0x3FB6] =	sst s0;
	s0 =	simm.s32 @!p1 $0x0  }
0x14: {  	s2 =	sld [smem:$0x3F9A];
	s0 =	simm.s32 @p1 $0x1  }
0x15: {  	[smem:$0x3FB7] =	sst s0;
	s0 =	simm.s32 @!p2 $0x0  }
0x16: {  	s3 =	sld [smem:$0x3FDB];
	s0 =	simm.s32 @p2 $0x1  }
0x17: {  	s4 =	simm.s32 $0x1BF5;
	[smem:$0x3FB9] =	sst s0  }
0x18: {  	s0 =	sld [smem:$0x3F9C];
	_ =	swait.ge [sflag:s4], $0x0  }
0x19: {  	s7 =	sld [smem:$0x3F9D]  }
0x1a: {  	s8 =	sadd.s32 $0xFFFFE003, lr  }
0x1b: {  	s9 =	sadd.s32 $0xFFFFFEF7, lr;
	s5 =	simm.s32 $0xFFFFFFFF;
	p2 =	slt.u32 s8, $0xFFFFF086  }
0x1c: {  	p1 =	slt.u32 s9, $0xF7A;
	s5 =	simm.s32 @!p2 $0x0  }
0x1d: {  	s5 =	simm.s32 @p1 $0x1;
	p0 =	seq.s32 s7, s2  }
0x1e: {  	s7 =	smul.u32 @!p0 $0xF7A, s2;
	p2 =	seq.s32 @!p0 s5, $0x0  }
0x1f: {  	s9 =	smul.u32 $0xF7A, s1;
	s8 =	simm.s32 @!p0 $0x1BF5;
	p2 =	por !p2, p0  }
0x20: {  	[sflag:s8] =	ssyncset.s32 @!p0 $0xFFFFF086;
	s6 =	sadd.s32 @!p0 s3, s7;
	s7 =	simm.s32 @!p0 $0x108  }
0x21: {  	s3 =	sadd.s32 s3, s9;
	s6 =	sadd.s32 @!p0 $0x88, s6;
	s7 =	simm.s32 @p2 $0x1082  }
0x22: {  	[simem:s7], [sflag:s8] =	dma.local @!p0 [hbm:s6], $0xF7A  }
0x23: {  	s9 =	sor.u32 $0xD0000000, s2;
	s6 =	simm.s32 $0x108;
	_ =	swait.ge @!p0 [sflag:s8], $0x0  }
0x24: {  	s3 =	sadd.s32 $0x88, s3;
	s6 =	simm.s32 @!p1 $0x1082;
	[sflag:s4] =	ssyncset.s32 $0xFFFFF086  }
0x25: {  	[simem:s6], [sflag:s4] =	dma.local [hbm:s3], $0xF7A  }
0x26: {  	[smem:$0x3F9D] =	sst s1;
	(tag) =	ssettag s2;
	_ =	strace s9  }
0x27: {  	s1 =	sld [smem:$0x3FAD]  }
0x28: {  	s2 =	sld [smem:$0x3FAE]  }
0x29: {  	s4 =	sld [smem:$0x3FB0]  }
0x2a: {  	p0 =	seq.s32 s5, $0x0;
	s5 =	sld [smem:$0x3FB1]  }
0x2b: {  	s6 =	sld [smem:$0x3FB2]  }
0x2c: {  	s7 =	sld [smem:$0x3FB3]  }
0x2d: {  	s3 =	simm.s32 $0x108;
	s8 =	sld [smem:$0x3FB4]  }
0x2e: {  	s3 =	simm.s32 @!p0 $0x1082;
	s9 =	sld [smem:$0x3FB5]  }
0x2f: {  	lr =	sadd.s32 s0, s3;
	s0 =	sld [smem:$0x3FAC]  }
0x30: {  	s3 =	sld [smem:$0x3FAF]  }
0x31: {  	[smem:$0x3FB8] =	sst s10  }
0x32: {  	s10 =	sld [smem:$0x3FB6];
	_ =	sdelay $0x3  }
0x33: {  	p0 =	seq.s32 s10, $0x1;
	s10 =	sld [smem:$0x3FB8];
	_ =	sdelay $0x3  }
0x34: {  	[smem:$0x3FB8] =	sst s10  }
0x35: {  	s10 =	sld [smem:$0x3FB7];
	_ =	sdelay $0x3  }
0x36: {  	p1 =	seq.s32 s10, $0x1;
	s10 =	sld [smem:$0x3FB8];
	_ =	sdelay $0x3  }
0x37: {  	[smem:$0x3FB8] =	sst s10  }
0x38: {  	s10 =	sld [smem:$0x3FB9]  }
0x39: {  	_ = 	snop;
	(pc) =	sbr.ind lr, $3  }
0x3a: {  	_ = 	snop  }
0x3b: {  	_ = 	snop  }
0x3c: {  	p2 =	seq.s32 s10, $0x1;
	s10 =	sld [smem:$0x3FB8]  }
0x3d: {  	_ =	shalt  }
0x3e: {  	_ =	shalt  }
0x3f: {  	_ =	shalt  }
0x40: {  	_ =	shalt  }
0x41: {  	_ =	shalt  }
0x42: {  	_ =	shalt  }
0x43: {  	_ =	shalt  }
0x44: {  	_ =	shalt  }
0x45: {  	_ =	shalt  }
0x46: {  	_ =	shalt  }
0x47: {  	_ =	shalt  }
0x48: {  	_ =	shalt  }
0x49: {  	_ =	shalt  }
0x4a: {  	_ =	shalt  }
0x4b: {  	_ =	shalt  }
0x4c: {  	_ =	shalt  }
0x4d: {  	_ =	shalt  }
0x4e: {  	_ =	shalt  }
0x4f: {  	_ =	shalt  }
0x50: {  	_ =	shalt  }
0x51: {  	_ =	shalt  }
0x52: {  	_ =	shalt  }
0x53: {  	_ =	shalt  }
0x54: {  	_ =	shalt  }
0x55: {  	_ =	shalt  }
0x56: {  	_ =	shalt  }
0x57: {  	_ =	shalt  }
0x58: {  	_ =	shalt  }
0x59: {  	_ =	shalt  }
0x5a: {  	_ =	shalt  }
0x5b: {  	_ =	shalt  }
0x5c: {  	_ =	shalt  }
0x5d: {  	_ =	shalt  }
0x5e: {  	_ =	shalt  }
0x5f: {  	_ =	shalt  }
0x60: {  	_ =	shalt  }
0x61: {  	_ =	shalt  }
0x62: {  	_ =	shalt  }
0x63: {  	_ =	shalt  }
0x64: {  	_ =	shalt  }
0x65: {  	_ =	shalt  }
0x66: {  	_ =	shalt  }
0x67: {  	_ =	shalt  }
0x68: {  	_ =	shalt  }
0x69: {  	_ =	shalt  }
0x6a: {  	_ =	shalt  }
0x6b: {  	_ =	shalt  }
0x6c: {  	_ =	shalt  }
0x6d: {  	_ =	shalt  }
0x6e: {  	_ =	shalt  }
0x6f: {  	_ =	shalt  }
0x70: {  	_ =	shalt  }
0x71: {  	_ =	shalt  }
0x72: {  	_ =	shalt  }
0x73: {  	_ =	shalt  }
0x74: {  	_ =	shalt  }
0x75: {  	_ =	shalt  }
0x76: {  	_ =	shalt  }
0x77: {  	_ =	shalt  }
0x78: {  	_ =	shalt  }
0x79: {  	_ =	shalt  }
0x7a: {  	_ =	shalt  }
0x7b: {  	_ =	shalt  }
0x7c: {  	_ =	shalt  }
0x7d: {  	_ =	shalt  }
0x7e: {  	_ =	shalt  }
0x7f: {  	_ =	shalt  }
0x80: {  	_ =	shalt  }
0x81: {  	_ =	shalt  }
0x82: {  	_ =	shalt  }
0x83: {  	_ =	shalt  }
0x84: {  	_ =	shalt  }
0x85: {  	_ =	shalt  }
0x86: {  	_ =	shalt  }
0x87: {  	_ =	shalt  }
.Lfunc_end0:
.L_simem_size_0:
called_computation_lowered:
.L_overlay_start_0:
0x88: {  	s2 =	sld [smem:$0x3FD9]  }
0x89: {  	s3 =	sld [smem:$0x3FFE];
	_ =	sdelay $0x1  }
0x8a: {  	s1 =	srdreg.scid  }
0x8b: {  	s0 =	sand.u32 $0x1, s1  }
0x8c: {  	s18 =	sshll.u32 s0, $0xA;
	s2 =	sadd.s32 s3, s2  }
0x8d: {  	s2 =	sadd.s32 s2, s18  }
0x8e: {  	[smem:$0x3FC4] =	sst s2  }
0x8f: {  	_ = 	snop  }
0x90: {  	s2 =	sld [smem:$0x3FC9]  }
0x91: {  	s19 =	sld [smem:$0x3FC8]  }
0x92: {  	s4 =	sld [smem:$0x3FC7]  }
0x93: {  	s5 =	sld [smem:$0x3FC6]  }
0x94: {  	s6 =	sld [smem:$0x3FD0];
	(tm) =	ssettm $0x1  }
0x95: {  	s7 =	sld [smem:$0x3FFB];
	_ =	sdelay $0x3  }
0x96: {  	_ =	strace s7  }
0x97: {  	s7 =	sld [smem:$0x3FFC];
	_ =	sdelay $0x3  }
0x98: {  	_ =	strace s7  }
0x99: {  	s7 =	sld [smem:$0x3FFD];
	_ =	sdelay $0x3  }
0x9a: {  	_ =	strace s7  }
0x9b: {  	_ =	strace $0x8FFFFFFF  }
0x9c: {  	s20 =	sld [smem:$0x3FDB];
	_ =	sdelay $0x1  }
0x9d: {  	s8 =	simm.s32 $_scs_section_size  }
0x9e: {  	s9 =	simm.s32 $_size__tile_overlayer_lowered;
	s10 =	simm.s32 $_tile_overlayer_lowered  }
0x9f: {  	s23 =	simm.s32 $0x1BFF;
	s22 =	sshll.u32 s10, $0x1;
	s7 =	sadd.s32 s8, s20  }
0xa0: {  	s11 =	simm.s32 $0x0;
	s21 =	sshll.u32 s9, $0x1;
	s9 =	sadd.s32 s22, s7  }
0xa1: {  	[timem:s11], [sflag:s23] =	dma.local [hbm:s9], s21  }
0xa2: {  	_ =	swait.ge [sflag:s23], s21  }
0xa3: {  	s8 =	ssub.s32 $0x0, s21;
	[sflag:s23] =	ssyncset.done $0x0  }
0xa4: {  	[sflag:s23] =	ssyncadd.s32 s8;
	_ =	sdelay $0x1  }
0xa5: {  	s24 =	simm.s32 $0x1B8B  }
0xa6: {  	_ =	swait.ge [sflag:s24], $0x1  }
0xa7: {  	[sflag:s24] =	ssyncset.done $0x0  }
0xa8: {  	s25 =	simm.s32 $0x1B8E;
	[sflag:s24] =	ssyncadd.s32 $0xFFFFFFFF  }
0xa9: {  	s26 =	simm.s32 $execute0_lowered;
	[smem:$0x3FD2] =	sst s25  }
0xaa: {  	s8 =	sshll.u32 s26, $0x1;
	_ =	strace $0x80000046;
	[dreg:$0x1] =	wrdreg $0xFFFFFFFF  }
0xab: {  	s28 =	simm.s32 $_size_execute0_lowered;
	s7 =	sadd.s32 s7, s8;
	[dreg:$0x0] =	wrdreg $0x0  }
0xac: {  	s8 =	sshll.u32 s28, $0x1;
	[dreg:$0x2] =	wrdreg s7  }
0xad: {  	[dreg:$0x3] =	wrdreg s8  }
0xae: {  	[dreg:$0x4] =	wrdreg $0xC0  }
0xaf: {  	_ =	task [dreg:s11], $0x5FFFF  }
0xb0: {  	[dreg:$0x1] =	wrdreg $0xFFFFFFFF  }
0xb1: {  	[dreg:$0x0] =	wrdreg $0x60  }
0xb2: {  	[dreg:$0x2] =	wrdreg s2  }
0xb3: {  	[dreg:$0x3] =	wrdreg s19  }
0xb4: {  	[dreg:$0x4] =	wrdreg s4  }
0xb5: {  	[dreg:$0x5] =	wrdreg s5  }
0xb6: {  	[dreg:$0x6] =	wrdreg s6  }
0xb7: {  	[dreg:$0x7] =	wrdreg $0x9  }
0xb8: {  	_ =	task.clear_ibuf [dreg:s11], $0x8FFFF;
	_ =	strace $0x90000046  }
0xb9: {  	s29 =	simm.s32 $0x9;
	_ =	strace $0x80000048  }
0xba: {  	_ =	swait.ge [sflag:s29], $0x1  }
0xbb: {  	[sflag:s29] =	ssyncadd.s32 $0xFFFFFFFF  }
0xbc: {  	_ =	strace $0x90000048  }
0xbd: {  	_ =	sfence  }
0xbe: {  	s30 =	sld [smem:$0x0];
	_ =	sdelay $0x2  }
0xbf: {  	s31 =	sshll.u32 s1, $0xD;
	s1 =	sshrl.u32 s1, $0x2  }
0xc0: {  	s3 =	sand.u32 $0x4000, s31;
	s1 =	sadd.s32 s1, s30  }
0xc1: {  	s0 =	sor.u32 s3, s0;
	s1 =	sshll.u32 s1, $0x11  }
0xc2: {  	s0 =	sor.u32 s1, s0  }
0xc3: {  	s0 =	sadd.s32 $0x8F2B, s0  }
0xc4: {  	[sflag:s0] =	ssyncadd.remote.s32 $0x1  }
0xc5: {  	_ =	sfence.sel $0xFFFF  }
0xc6: {  	[dreg:$0x0] =	wrdreg $0xFFFFFFFF;
	(pc) =	sbr.abs _section_cstart, $3  }
0xc7: {  	[dreg:$0x1] =	wrdreg $0xFFFFFFFF  }
0xc8: {  	_ =	task.clear_ibuf [dreg:s11], $0x2FFFF;
	_ =	strace $0x9FFFFFFF  }
0xc9: {  	(tm) =	ssettm $0x7FFFFFFF  }
tec
execute0_lowered:
.L_overlay_start_1:
0x0: {  	(tag) =	ssettag $0x1  }
0x1: {  	s6 =	rddreg [dreg:$0x0]  }
0x2: {  	s1 =	rddreg [dreg:$0x1]  }
0x3: {  	s2 =	rddreg [dreg:$0x2]  }
0x4: {  	s3 =	rddreg [dreg:$0x3]  }
0x5: {  	s7 =	rddreg [dreg:$0x4];
	s4 =	srdreg.scid  }
0x6: {  	s0 =	rddreg [dreg:$0x5];
	s5 =	simm.s32 $0x0;
	s12 =	simm.s32 $0x210  }
0x7: {  	s13 =	simm.s32 $0x280;
	s14 =	simm.s32 $0x500;
	s15 =	simm.s32 $0x2  }
0x8: {  	s16 =	simm.s32 $0xB80;
	s17 =	simm.s32 $0x3;
	s8 =	sand.u32 $0x1, s4  }
0x9: {  	[smem:$0x7FF] =	sst s5;
	s4 =	stileid.u32;
	s9 =	ssub.s32 $0x2, s8  }
0xa: {  	s11 =	sshll.u32 s4, $0x7;
	s8 =	sshll.u32 s8, $0x6;
	_ =	strace $0x80000047  }
0xb: {  	s10 =	sshrl.u32 s9, $0x1;
	s8 =	sor.u32 s8, s11;
	s11 =	simm.s32 $0x1  }
0xc: {  	s9 =	ssub.s32 s9, s10;
	s6 =	sadd.s32 s6, s8;
	s7 =	sadd.s32 s7, s8  }
0xd: {  	s10 =	simm.s32 $0x780;
	s8 =	smax.u32 s9, $0x1;
	s9 =	simm.s32 $0x200  }
.LBB2_1:
0xe: {  	[tilespmem:s5], [sflag:$0x1] =	stream.linear.gather [hbm4b:s6+s5], $0x200, $0x38;
	[tilespmem:$0xD80] =	vst v63  }
0xf: {  	_ = 	snop  }
0x10: {  	[tilespmem:s9], [sflag:$0x1] =	stream.linear.gather [hbm4b:s1+s5], $0x10, $0x38;
	[tilespmem:$0xD80] =	vst v63  }
0x11: {  	_ = 	snop  }
0x12: {  	[tilespmem:s10], [sflag:$0x1] =	stream.linear.gather [hbm4b:s3+s5], $0x400, $0x38;
	[tilespmem:$0xD80] =	vst v63  }
0x13: {  	_ =	swait.ge [sflag:s11], $0x200  }
0x14: {  	[sflag:s11] =	ssyncset.done $0x0  }
0x15: {  	[sflag:s11] =	ssyncadd.s32 $0xFFFFFE00  }
0x16: {  	_ =	swait.ge [sflag:s11], $0x10  }
0x17: {  	[sflag:s11] =	ssyncset.done $0x0  }
0x18: {  	[sflag:s11] =	ssyncadd.s32 $0xFFFFFFF0  }
0x19: {  	v0 =	vld [tilespmem:$0x0]  }
0x1a: {  	v1 =	vld [tilespmem:$0x10]  }
0x1b: {  	v2 =	vld [tilespmem:$0x20]  }
0x1c: {  	v3 =	vld [tilespmem:$0x30]  }
0x1d: {  	v4 =	vld [tilespmem:$0x40]  }
0x1e: {  	v5 =	vld [tilespmem:$0x50];
	vm0 =	vlt.s32 v0, $0xF3FFF  }
0x1f: {  	v6 =	vld [tilespmem:$0x60];
	vm15 =	vlt.s32 v1, $0xF3FFF;
	v0 =	vnsel vm0, $0xF3FFF, v0  }
0x20: {  	v49 =	vld [tilespmem:$0x70];
	vm4 =	vlt.s32 v2, $0xF3FFF;
	v48 =	vnsel vm15, $0xF3FFF, v1;
	[tilespmem:$0x280] =	vst v0  }
0x21: {  	v51 =	vld [tilespmem:$0x80];
	vm5 =	vlt.s32 v3, $0xF3FFF;
	v50 =	vnsel vm4, $0xF3FFF, v2;
	[tilespmem:$0x290] =	vst v48  }
0x22: {  	v53 =	vld [tilespmem:$0x90];
	vm6 =	vlt.s32 v4, $0xF3FFF;
	v52 =	vnsel vm5, $0xF3FFF, v3;
	[tilespmem:$0x2A0] =	vst v50  }
0x23: {  	v55 =	vld [tilespmem:$0xA0];
	vm7 =	vlt.s32 v5, $0xF3FFF;
	v54 =	vnsel vm6, $0xF3FFF, v4;
	[tilespmem:$0x2B0] =	vst v52  }
0x24: {  	v57 =	vld [tilespmem:$0xB0];
	vm8 =	vlt.s32 v6, $0xF3FFF;
	v56 =	vnsel vm7, $0xF3FFF, v5;
	[tilespmem:$0x2C0] =	vst v54  }
0x25: {  	v59 =	vld [tilespmem:$0xC0];
	vm9 =	vlt.s32 v49, $0xF3FFF;
	v58 =	vnsel vm8, $0xF3FFF, v6;
	[tilespmem:$0x2D0] =	vst v56  }
0x26: {  	v61 =	vld [tilespmem:$0xD0];
	vm10 =	vlt.s32 v51, $0xF3FFF;
	v60 =	vnsel vm9, $0xF3FFF, v49;
	[tilespmem:$0x2E0] =	vst v58  }
0x27: {  	v63 =	vld [tilespmem:$0xE0];
	vm11 =	vlt.s32 v53, $0xF3FFF;
	v62 =	vnsel vm10, $0xF3FFF, v51;
	[tilespmem:$0x2F0] =	vst v60  }
0x28: {  	v10 =	vld [tilespmem:$0xF0];
	vm12 =	vlt.s32 v55, $0xF3FFF;
	v9 =	vnsel vm11, $0xF3FFF, v53;
	[tilespmem:$0x300] =	vst v62  }
0x29: {  	v12 =	vld [tilespmem:$0x100];
	vm13 =	vlt.s32 v57, $0xF3FFF;
	v11 =	vnsel vm12, $0xF3FFF, v55;
	[tilespmem:$0x310] =	vst v9  }
0x2a: {  	v14 =	vld [tilespmem:$0x110];
	vm14 =	vlt.s32 v59, $0xF3FFF;
	v13 =	vnsel vm13, $0xF3FFF, v57;
	[tilespmem:$0x320] =	vst v11  }
0x2b: {  	v16 =	vld [tilespmem:$0x120];
	v15 =	vnsel vm14, $0xF3FFF, v59;
	vm15 =	vlt.s32 v61, $0xF3FFF;
	[tilespmem:$0x330] =	vst v13  }
0x2c: {  	v18 =	vld [tilespmem:$0x130];
	vm4 =	vlt.s32 v63, $0xF3FFF;
	[tilespmem:$0x340] =	vst v15;
	v17 =	vnsel vm15, $0xF3FFF, v61  }
0x2d: {  	v20 =	vld [tilespmem:$0x140];
	vm5 =	vlt.s32 v10, $0xF3FFF;
	v19 =	vnsel vm4, $0xF3FFF, v63;
	[tilespmem:$0x350] =	vst v17  }
0x2e: {  	v22 =	vld [tilespmem:$0x150];
	vm6 =	vlt.s32 v12, $0xF3FFF;
	v21 =	vnsel vm5, $0xF3FFF, v10;
	[tilespmem:$0x360] =	vst v19  }
0x2f: {  	v24 =	vld [tilespmem:$0x160];
	vm7 =	vlt.s32 v14, $0xF3FFF;
	v23 =	vnsel vm6, $0xF3FFF, v12;
	[tilespmem:$0x370] =	vst v21  }
0x30: {  	v26 =	vld [tilespmem:$0x170];
	vm8 =	vlt.s32 v16, $0xF3FFF;
	v25 =	vnsel vm7, $0xF3FFF, v14;
	[tilespmem:$0x380] =	vst v23  }
0x31: {  	v28 =	vld [tilespmem:$0x180];
	vm9 =	vlt.s32 v18, $0xF3FFF;
	v27 =	vnsel vm8, $0xF3FFF, v16;
	[tilespmem:$0x390] =	vst v25  }
0x32: {  	v30 =	vld [tilespmem:$0x190];
	vm10 =	vlt.s32 v20, $0xF3FFF;
	v29 =	vnsel vm9, $0xF3FFF, v18;
	[tilespmem:$0x3A0] =	vst v27  }
0x33: {  	v32 =	vld [tilespmem:$0x1A0];
	vm11 =	vlt.s32 v22, $0xF3FFF;
	v31 =	vnsel vm10, $0xF3FFF, v20;
	[tilespmem:$0x3B0] =	vst v29  }
0x34: {  	v34 =	vld [tilespmem:$0x1B0];
	vm12 =	vlt.s32 v24, $0xF3FFF;
	v33 =	vnsel vm11, $0xF3FFF, v22;
	[tilespmem:$0x3C0] =	vst v31  }
0x35: {  	v36 =	vld [tilespmem:$0x1C0];
	vm13 =	vlt.s32 v26, $0xF3FFF;
	v35 =	vnsel vm12, $0xF3FFF, v24;
	[tilespmem:$0x3D0] =	vst v33  }
0x36: {  	v38 =	vld [tilespmem:$0x1D0];
	vm14 =	vlt.s32 v28, $0xF3FFF;
	v37 =	vnsel vm13, $0xF3FFF, v26;
	[tilespmem:$0x3E0] =	vst v35  }
0x37: {  	v40 =	vld [tilespmem:$0x1E0];
	v39 =	vnsel vm14, $0xF3FFF, v28;
	vm15 =	vlt.s32 v30, $0xF3FFF;
	[tilespmem:$0x3F0] =	vst v37  }
0x38: {  	v42 =	vld [tilespmem:$0x1F0];
	vm4 =	vlt.s32 v32, $0xF3FFF;
	[tilespmem:$0x400] =	vst v39;
	v41 =	vnsel vm15, $0xF3FFF, v30  }
0x39: {  	v44 =	vld [tilespmem:$0x200];
	vm5 =	vlt.s32 v34, $0xF3FFF;
	v43 =	vnsel vm4, $0xF3FFF, v32;
	[tilespmem:$0x410] =	vst v41  }
0x3a: {  	vm6 =	vlt.s32 v36, $0xF3FFF;
	v45 =	vnsel vm5, $0xF3FFF, v34;
	[tilespmem:$0x420] =	vst v43  }
0x3b: {  	vm7 =	vlt.s32 v38, $0xF3FFF;
	v46 =	vnsel vm6, $0xF3FFF, v36;
	[tilespmem:$0x430] =	vst v45  }
0x3c: {  	vm8 =	vlt.s32 v40, $0xF3FFF;
	v47 =	vnsel vm7, $0xF3FFF, v38;
	[tilespmem:$0x440] =	vst v46  }
0x3d: {  	vm9 =	vlt.s32 v42, $0xF3FFF;
	v48 =	vnsel vm8, $0xF3FFF, v40;
	[tilespmem:$0x450] =	vst v47  }
0x3e: {  	vm10 =	vlt.s32 v44, $0xF3FFF;
	v49 =	vnsel vm9, $0xF3FFF, v42;
	[tilespmem:$0x460] =	vst v48  }
0x3f: {  	v50 =	vnsel vm10, $0xF3FFF, v44;
	[tilespmem:$0x470] =	vst v49  }
0x40: {  	[tilespmem:$0x480] =	vst v50  }
0x41: {  	[tilespmem:s14], [sflag:$0x2] =	stream.indirect.gather [hbm4b:s2+s12], $0x1, s13, s12, $0xb8;
	[tilespmem:$0xD80] =	vst v63  }
0x42: {  	_ =	swait.ge [sflag:s11], $0x400  }
0x43: {  	[sflag:s11] =	ssyncset.done $0x0  }
0x44: {  	[sflag:s11] =	ssyncadd.s32 $0xFFFFFC00  }
0x45: {  	_ =	swait.ge [sflag:s15], $0x210  }
0x46: {  	[sflag:s15] =	ssyncset.done $0x0  }
0x47: {  	[sflag:s15] =	ssyncadd.s32 $0xFFFFFDF0  }
0x48: {  	v51 =	vld [tilespmem:$0x200]  }
0x49: {  	v52 =	vld [tilespmem:$0x0];
	_ =	sdelay $0x3  }
0x4a: {  	v53 =	vadd.s32 $0xFFF0C1C0, v51  }
0x4b: {  	v54 =	vadd.s32 $0xFFF0C1C0, v52;
	vm11 =	vgt.s32 v53, $0x0  }
0x4c: {  	vm12 =	vgt.s32 v54, $0x0;
	v2 =	vnsel vm11, $0x0, v53  }
0x4d: {  	v3 =	vnsel vm12, $0x0, v54;
	_ =	sdelay $0x1  }
0x4e: {  	v55 =	vld [tilespmem:$0x700]  }
0x4f: {  	v56 =	vld [tilespmem:$0x500]  }
0x50: {  	v2 =	vld.idx.msk [tilespmem:v2+s10+$0x0], $0xffff  }
0x51: {  	v3 =	vld.idx.msk [tilespmem:v3+s10+$0x0], $0xffff;
	_ =	sdelay $0x3  }
0x52: {  	vm13 =	vgt.s32 v51, $0xF3FFF;
	vm1 =	vgt.s32 v52, $0xF3FFF  }
0x53: {  	v0 =	vsel vm13, v2, v55;
	v1 =	vsel vm1, v3, v56  }
0x54: {  	v1 =	vsub.f32 v1, v0;
	_ =	sdelay $0x1  }
0x55: {  	v1 =	vmul.f32 $6.931471820e-01, v1;
	_ =	sdelay $0x1  }
0x56: {  	v1 =	vmul.f32 $1.442695020e+00, v1  }
0x57: {  	v57 =	vld [tilespmem:$0x10]  }
0x58: {  	(erf) = vpow2.f32 v1;
	_ =	sdelay $0x3  }
0x59: {  	v58 =	vadd.s32 $0xFFF0C1C0, v57  }
0x5a: {  	vm14 =	vgt.s32 v58, $0x0  }
0x5b: {  	v1 =	vnsel vm14, $0x0, v58;
	_ =	sdelay $0x2  }
0x5c: {  	v59 =	vpop (erf)  }
0x5d: {  	v60 =	vld [tilespmem:$0x510];
	[tilespmem:$0xB80] =	vst v59  }
0x5e: {  	v1 =	vld.idx.msk [tilespmem:v1+s10+$0x0], $0xffff;
	_ =	sdelay $0x3  }
0x5f: {  	vm15 =	vgt.s32 v57, $0xF3FFF  }
0x60: {  	v1 =	vsel vm15, v1, v60  }
0x61: {  	v1 =	vsub.f32 v1, v0;
	_ =	sdelay $0x1  }
0x62: {  	v1 =	vmul.f32 $6.931471820e-01, v1;
	_ =	sdelay $0x1  }
0x63: {  	v1 =	vmul.f32 $1.442695020e+00, v1  }
0x64: {  	v61 =	vld [tilespmem:$0x20]  }
0x65: {  	(erf) = vpow2.f32 v1;
	_ =	sdelay $0x3  }
0x66: {  	v62 =	vadd.s32 $0xFFF0C1C0, v61  }
0x67: {  	vm4 =	vgt.s32 v62, $0x0  }
0x68: {  	v1 =	vnsel vm4, $0x0, v62;
	_ =	sdelay $0x2  }
0x69: {  	v63 =	vpop (erf)  }
0x6a: {  	v6 =	vld [tilespmem:$0x520];
	[tilespmem:$0xB90] =	vst v63  }
0x6b: {  	v1 =	vld.idx.msk [tilespmem:v1+s10+$0x0], $0xffff;
	_ =	sdelay $0x3  }
0x6c: {  	vm5 =	vgt.s32 v61, $0xF3FFF  }
0x6d: {  	v1 =	vsel vm5, v1, v6  }
0x6e: {  	v1 =	vsub.f32 v1, v0;
	_ =	sdelay $0x1  }
0x6f: {  	v1 =	vmul.f32 $6.931471820e-01, v1;
	_ =	sdelay $0x1  }
0x70: {  	v1 =	vmul.f32 $1.442695020e+00, v1  }
0x71: {  	v7 =	vld [tilespmem:$0x30]  }
0x72: {  	(erf) = vpow2.f32 v1;
	_ =	sdelay $0x3  }
0x73: {  	v8 =	vadd.s32 $0xFFF0C1C0, v7  }
0x74: {  	vm6 =	vgt.s32 v8, $0x0  }
0x75: {  	v1 =	vnsel vm6, $0x0, v8;
	_ =	sdelay $0x2  }
0x76: {  	v9 =	vpop (erf)  }
0x77: {  	v10 =	vld [tilespmem:$0x530];
	[tilespmem:$0xBA0] =	vst v9  }
0x78: {  	v1 =	vld.idx.msk [tilespmem:v1+s10+$0x0], $0xffff;
	_ =	sdelay $0x3  }
0x79: {  	vm7 =	vgt.s32 v7, $0xF3FFF  }
0x7a: {  	v1 =	vsel vm7, v1, v10  }
0x7b: {  	v1 =	vsub.f32 v1, v0;
	_ =	sdelay $0x1  }
0x7c: {  	v1 =	vmul.f32 $6.931471820e-01, v1;
	_ =	sdelay $0x1  }
0x7d: {  	v1 =	vmul.f32 $1.442695020e+00, v1  }
0x7e: {  	v11 =	vld [tilespmem:$0x40]  }
0x7f: {  	(erf) = vpow2.f32 v1;
	_ =	sdelay $0x3  }
0x80: {  	v12 =	vadd.s32 $0xFFF0C1C0, v11  }
0x81: {  	vm8 =	vgt.s32 v12, $0x0  }
0x82: {  	v1 =	vnsel vm8, $0x0, v12;
	_ =	sdelay $0x2  }
0x83: {  	v13 =	vpop (erf)  }
0x84: {  	v14 =	vld [tilespmem:$0x540];
	[tilespmem:$0xBB0] =	vst v13  }
0x85: {  	v1 =	vld.idx.msk [tilespmem:v1+s10+$0x0], $0xffff;
	_ =	sdelay $0x3  }
0x86: {  	vm9 =	vgt.s32 v11, $0xF3FFF  }
0x87: {  	v1 =	vsel vm9, v1, v14  }
0x88: {  	v1 =	vsub.f32 v1, v0;
	_ =	sdelay $0x1  }
0x89: {  	v1 =	vmul.f32 $6.931471820e-01, v1;
	_ =	sdelay $0x1  }
0x8a: {  	v1 =	vmul.f32 $1.442695020e+00, v1  }
0x8b: {  	v15 =	vld [tilespmem:$0x50]  }
0x8c: {  	(erf) = vpow2.f32 v1;
	_ =	sdelay $0x3  }
0x8d: {  	v16 =	vadd.s32 $0xFFF0C1C0, v15  }
0x8e: {  	vm10 =	vgt.s32 v16, $0x0  }
0x8f: {  	v1 =	vnsel vm10, $0x0, v16;
	_ =	sdelay $0x2  }
0x90: {  	v17 =	vpop (erf)  }
0x91: {  	v18 =	vld [tilespmem:$0x550];
	[tilespmem:$0xBC0] =	vst v17  }
0x92: {  	v1 =	vld.idx.msk [tilespmem:v1+s10+$0x0], $0xffff;
	_ =	sdelay $0x3  }
0x93: {  	vm11 =	vgt.s32 v15, $0xF3FFF  }
0x94: {  	v1 =	vsel vm11, v1, v18  }
0x95: {  	v1 =	vsub.f32 v1, v0;
	_ =	sdelay $0x1  }
0x96: {  	v1 =	vmul.f32 $6.931471820e-01, v1;
	_ =	sdelay $0x1  }
0x97: {  	v1 =	vmul.f32 $1.442695020e+00, v1  }
0x98: {  	v19 =	vld [tilespmem:$0x60]  }
0x99: {  	(erf) = vpow2.f32 v1;
	_ =	sdelay $0x3  }
0x9a: {  	v20 =	vadd.s32 $0xFFF0C1C0, v19  }
0x9b: {  	vm12 =	vgt.s32 v20, $0x0  }
0x9c: {  	v1 =	vnsel vm12, $0x0, v20;
	_ =	sdelay $0x2  }
0x9d: {  	v21 =	vpop (erf)  }
0x9e: {  	v22 =	vld [tilespmem:$0x560];
	[tilespmem:$0xBD0] =	vst v21  }
0x9f: {  	v1 =	vld.idx.msk [tilespmem:v1+s10+$0x0], $0xffff;
	_ =	sdelay $0x3  }
0xa0: {  	vm13 =	vgt.s32 v19, $0xF3FFF  }
0xa1: {  	v1 =	vsel vm13, v1, v22  }
0xa2: {  	v1 =	vsub.f32 v1, v0;
	_ =	sdelay $0x1  }
0xa3: {  	v1 =	vmul.f32 $6.931471820e-01, v1;
	_ =	sdelay $0x1  }
0xa4: {  	v1 =	vmul.f32 $1.442695020e+00, v1  }
0xa5: {  	v23 =	vld [tilespmem:$0x70]  }
0xa6: {  	(erf) = vpow2.f32 v1;
	_ =	sdelay $0x3  }
0xa7: {  	v24 =	vadd.s32 $0xFFF0C1C0, v23  }
0xa8: {  	vm14 =	vgt.s32 v24, $0x0  }
0xa9: {  	v1 =	vnsel vm14, $0x0, v24;
	_ =	sdelay $0x2  }
0xaa: {  	v25 =	vpop (erf)  }
0xab: {  	v26 =	vld [tilespmem:$0x570];
	[tilespmem:$0xBE0] =	vst v25  }
0xac: {  	v1 =	vld.idx.msk [tilespmem:v1+s10+$0x0], $0xffff;
	_ =	sdelay $0x3  }
0xad: {  	vm15 =	vgt.s32 v23, $0xF3FFF  }
0xae: {  	v1 =	vsel vm15, v1, v26  }
0xaf: {  	v1 =	vsub.f32 v1, v0;
	_ =	sdelay $0x1  }
0xb0: {  	v1 =	vmul.f32 $6.931471820e-01, v1;
	_ =	sdelay $0x1  }
0xb1: {  	v1 =	vmul.f32 $1.442695020e+00, v1  }
0xb2: {  	v27 =	vld [tilespmem:$0x80]  }
0xb3: {  	(erf) = vpow2.f32 v1;
	_ =	sdelay $0x3  }
0xb4: {  	v28 =	vadd.s32 $0xFFF0C1C0, v27  }
0xb5: {  	vm4 =	vgt.s32 v28, $0x0  }
0xb6: {  	v1 =	vnsel vm4, $0x0, v28;
	_ =	sdelay $0x2  }
0xb7: {  	v29 =	vpop (erf)  }
0xb8: {  	v30 =	vld [tilespmem:$0x580];
	[tilespmem:$0xBF0] =	vst v29  }
0xb9: {  	v1 =	vld.idx.msk [tilespmem:v1+s10+$0x0], $0xffff;
	_ =	sdelay $0x3  }
0xba: {  	vm5 =	vgt.s32 v27, $0xF3FFF  }
0xbb: {  	v1 =	vsel vm5, v1, v30  }
0xbc: {  	v1 =	vsub.f32 v1, v0;
	_ =	sdelay $0x1  }
0xbd: {  	v1 =	vmul.f32 $6.931471820e-01, v1;
	_ =	sdelay $0x1  }
0xbe: {  	v1 =	vmul.f32 $1.442695020e+00, v1  }
0xbf: {  	v31 =	vld [tilespmem:$0x90]  }
0xc0: {  	(erf) = vpow2.f32 v1;
	_ =	sdelay $0x3  }
0xc1: {  	v32 =	vadd.s32 $0xFFF0C1C0, v31  }
0xc2: {  	vm6 =	vgt.s32 v32, $0x0  }
0xc3: {  	v1 =	vnsel vm6, $0x0, v32;
	_ =	sdelay $0x2  }
0xc4: {  	v33 =	vpop (erf)  }
0xc5: {  	v34 =	vld [tilespmem:$0x590];
	[tilespmem:$0xC00] =	vst v33  }
0xc6: {  	v1 =	vld.idx.msk [tilespmem:v1+s10+$0x0], $0xffff;
	_ =	sdelay $0x3  }
0xc7: {  	vm7 =	vgt.s32 v31, $0xF3FFF  }
0xc8: {  	v1 =	vsel vm7, v1, v34  }
0xc9: {  	v1 =	vsub.f32 v1, v0;
	_ =	sdelay $0x1  }
0xca: {  	v1 =	vmul.f32 $6.931471820e-01, v1;
	_ =	sdelay $0x1  }
0xcb: {  	v1 =	vmul.f32 $1.442695020e+00, v1  }
0xcc: {  	v35 =	vld [tilespmem:$0xA0]  }
0xcd: {  	(erf) = vpow2.f32 v1;
	_ =	sdelay $0x3  }
0xce: {  	v36 =	vadd.s32 $0xFFF0C1C0, v35  }
0xcf: {  	vm8 =	vgt.s32 v36, $0x0  }
0xd0: {  	v1 =	vnsel vm8, $0x0, v36;
	_ =	sdelay $0x2  }
0xd1: {  	v37 =	vpop (erf)  }
0xd2: {  	v38 =	vld [tilespmem:$0x5A0];
	[tilespmem:$0xC10] =	vst v37  }
0xd3: {  	v1 =	vld.idx.msk [tilespmem:v1+s10+$0x0], $0xffff;
	_ =	sdelay $0x3  }
0xd4: {  	vm9 =	vgt.s32 v35, $0xF3FFF  }
0xd5: {  	v1 =	vsel vm9, v1, v38  }
0xd6: {  	v1 =	vsub.f32 v1, v0;
	_ =	sdelay $0x1  }
0xd7: {  	v1 =	vmul.f32 $6.931471820e-01, v1;
	_ =	sdelay $0x1  }
0xd8: {  	v1 =	vmul.f32 $1.442695020e+00, v1  }
0xd9: {  	v39 =	vld [tilespmem:$0xB0]  }
0xda: {  	(erf) = vpow2.f32 v1;
	_ =	sdelay $0x3  }
0xdb: {  	v40 =	vadd.s32 $0xFFF0C1C0, v39  }
0xdc: {  	vm10 =	vgt.s32 v40, $0x0  }
0xdd: {  	v1 =	vnsel vm10, $0x0, v40;
	_ =	sdelay $0x2  }
0xde: {  	v41 =	vpop (erf)  }
0xdf: {  	v42 =	vld [tilespmem:$0x5B0];
	[tilespmem:$0xC20] =	vst v41  }
0xe0: {  	v1 =	vld.idx.msk [tilespmem:v1+s10+$0x0], $0xffff;
	_ =	sdelay $0x3  }
0xe1: {  	vm11 =	vgt.s32 v39, $0xF3FFF  }
0xe2: {  	v1 =	vsel vm11, v1, v42  }
0xe3: {  	v1 =	vsub.f32 v1, v0;
	_ =	sdelay $0x1  }
0xe4: {  	v1 =	vmul.f32 $6.931471820e-01, v1;
	_ =	sdelay $0x1  }
0xe5: {  	v1 =	vmul.f32 $1.442695020e+00, v1  }
0xe6: {  	v43 =	vld [tilespmem:$0xC0]  }
0xe7: {  	(erf) = vpow2.f32 v1;
	_ =	sdelay $0x3  }
0xe8: {  	v44 =	vadd.s32 $0xFFF0C1C0, v43  }
0xe9: {  	vm12 =	vgt.s32 v44, $0x0  }
0xea: {  	v1 =	vnsel vm12, $0x0, v44;
	_ =	sdelay $0x2  }
0xeb: {  	v45 =	vpop (erf)  }
0xec: {  	v46 =	vld [tilespmem:$0x5C0];
	[tilespmem:$0xC30] =	vst v45  }
0xed: {  	v1 =	vld.idx.msk [tilespmem:v1+s10+$0x0], $0xffff;
	_ =	sdelay $0x3  }
0xee: {  	vm13 =	vgt.s32 v43, $0xF3FFF  }
0xef: {  	v1 =	vsel vm13, v1, v46  }
0xf0: {  	v1 =	vsub.f32 v1, v0;
	_ =	sdelay $0x1  }
0xf1: {  	v1 =	vmul.f32 $6.931471820e-01, v1;
	_ =	sdelay $0x1  }
0xf2: {  	v1 =	vmul.f32 $1.442695020e+00, v1  }
0xf3: {  	v47 =	vld [tilespmem:$0xD0]  }
0xf4: {  	(erf) = vpow2.f32 v1;
	_ =	sdelay $0x3  }
0xf5: {  	v48 =	vadd.s32 $0xFFF0C1C0, v47  }
0xf6: {  	vm14 =	vgt.s32 v48, $0x0  }
0xf7: {  	v1 =	vnsel vm14, $0x0, v48;
	_ =	sdelay $0x2  }
0xf8: {  	v49 =	vpop (erf)  }
0xf9: {  	v50 =	vld [tilespmem:$0x5D0];
	[tilespmem:$0xC40] =	vst v49  }
0xfa: {  	v1 =	vld.idx.msk [tilespmem:v1+s10+$0x0], $0xffff;
	_ =	sdelay $0x3  }
0xfb: {  	vm15 =	vgt.s32 v47, $0xF3FFF  }
0xfc: {  	v1 =	vsel vm15, v1, v50  }
0xfd: {  	v1 =	vsub.f32 v1, v0;
	_ =	sdelay $0x1  }
0xfe: {  	v1 =	vmul.f32 $6.931471820e-01, v1;
	_ =	sdelay $0x1  }
0xff: {  	v1 =	vmul.f32 $1.442695020e+00, v1  }
0x100: {  	v51 =	vld [tilespmem:$0xE0]  }
0x101: {  	(erf) = vpow2.f32 v1;
	_ =	sdelay $0x3  }
0x102: {  	v52 =	vadd.s32 $0xFFF0C1C0, v51  }
0x103: {  	vm4 =	vgt.s32 v52, $0x0  }
0x104: {  	v1 =	vnsel vm4, $0x0, v52;
	_ =	sdelay $0x2  }
0x105: {  	v53 =	vpop (erf)  }
0x106: {  	v54 =	vld [tilespmem:$0x5E0];
	[tilespmem:$0xC50] =	vst v53  }
0x107: {  	v1 =	vld.idx.msk [tilespmem:v1+s10+$0x0], $0xffff;
	_ =	sdelay $0x3  }
0x108: {  	vm5 =	vgt.s32 v51, $0xF3FFF  }
0x109: {  	v1 =	vsel vm5, v1, v54  }
0x10a: {  	v1 =	vsub.f32 v1, v0;
	_ =	sdelay $0x1  }
0x10b: {  	v1 =	vmul.f32 $6.931471820e-01, v1;
	_ =	sdelay $0x1  }
0x10c: {  	v1 =	vmul.f32 $1.442695020e+00, v1  }
0x10d: {  	v55 =	vld [tilespmem:$0xF0]  }
0x10e: {  	(erf) = vpow2.f32 v1;
	_ =	sdelay $0x3  }
0x10f: {  	v56 =	vadd.s32 $0xFFF0C1C0, v55  }
0x110: {  	vm6 =	vgt.s32 v56, $0x0  }
0x111: {  	v1 =	vnsel vm6, $0x0, v56;
	_ =	sdelay $0x2  }
0x112: {  	v57 =	vpop (erf)  }
0x113: {  	v58 =	vld [tilespmem:$0x5F0];
	[tilespmem:$0xC60] =	vst v57  }
0x114: {  	v1 =	vld.idx.msk [tilespmem:v1+s10+$0x0], $0xffff;
	_ =	sdelay $0x3  }
0x115: {  	vm7 =	vgt.s32 v55, $0xF3FFF  }
0x116: {  	v1 =	vsel vm7, v1, v58  }
0x117: {  	v1 =	vsub.f32 v1, v0;
	_ =	sdelay $0x1  }
0x118: {  	v1 =	vmul.f32 $6.931471820e-01, v1;
	_ =	sdelay $0x1  }
0x119: {  	v1 =	vmul.f32 $1.442695020e+00, v1  }
0x11a: {  	v59 =	vld [tilespmem:$0x100]  }
0x11b: {  	(erf) = vpow2.f32 v1;
	_ =	sdelay $0x3  }
0x11c: {  	v60 =	vadd.s32 $0xFFF0C1C0, v59  }
0x11d: {  	vm8 =	vgt.s32 v60, $0x0  }
0x11e: {  	v1 =	vnsel vm8, $0x0, v60;
	_ =	sdelay $0x2  }
0x11f: {  	v61 =	vpop (erf)  }
0x120: {  	v62 =	vld [tilespmem:$0x600];
	[tilespmem:$0xC70] =	vst v61  }
0x121: {  	v1 =	vld.idx.msk [tilespmem:v1+s10+$0x0], $0xffff;
	_ =	sdelay $0x3  }
0x122: {  	vm9 =	vgt.s32 v59, $0xF3FFF  }
0x123: {  	v1 =	vsel vm9, v1, v62  }
0x124: {  	v1 =	vsub.f32 v1, v0;
	_ =	sdelay $0x1  }
0x125: {  	v1 =	vmul.f32 $6.931471820e-01, v1;
	_ =	sdelay $0x1  }
0x126: {  	v1 =	vmul.f32 $1.442695020e+00, v1  }
0x127: {  	v63 =	vld [tilespmem:$0x110]  }
0x128: {  	(erf) = vpow2.f32 v1;
	_ =	sdelay $0x3  }
0x129: {  	v5 =	vadd.s32 $0xFFF0C1C0, v63  }
0x12a: {  	vm10 =	vgt.s32 v5, $0x0  }
0x12b: {  	v1 =	vnsel vm10, $0x0, v5;
	_ =	sdelay $0x2  }
0x12c: {  	v6 =	vpop (erf)  }
0x12d: {  	v7 =	vld [tilespmem:$0x610];
	[tilespmem:$0xC80] =	vst v6  }
0x12e: {  	v1 =	vld.idx.msk [tilespmem:v1+s10+$0x0], $0xffff;
	_ =	sdelay $0x3  }
0x12f: {  	vm11 =	vgt.s32 v63, $0xF3FFF  }
0x130: {  	v1 =	vsel vm11, v1, v7  }
0x131: {  	v1 =	vsub.f32 v1, v0;
	_ =	sdelay $0x1  }
0x132: {  	v1 =	vmul.f32 $6.931471820e-01, v1;
	_ =	sdelay $0x1  }
0x133: {  	v1 =	vmul.f32 $1.442695020e+00, v1  }
0x134: {  	v8 =	vld [tilespmem:$0x120]  }
0x135: {  	(erf) = vpow2.f32 v1;
	_ =	sdelay $0x3  }
0x136: {  	v9 =	vadd.s32 $0xFFF0C1C0, v8  }
0x137: {  	vm12 =	vgt.s32 v9, $0x0  }
0x138: {  	v1 =	vnsel vm12, $0x0, v9;
	_ =	sdelay $0x2  }
0x139: {  	v10 =	vpop (erf)  }
0x13a: {  	v11 =	vld [tilespmem:$0x620];
	[tilespmem:$0xC90] =	vst v10  }
0x13b: {  	v1 =	vld.idx.msk [tilespmem:v1+s10+$0x0], $0xffff;
	_ =	sdelay $0x3  }
0x13c: {  	vm13 =	vgt.s32 v8, $0xF3FFF  }
0x13d: {  	v1 =	vsel vm13, v1, v11  }
0x13e: {  	v1 =	vsub.f32 v1, v0;
	_ =	sdelay $0x1  }
0x13f: {  	v1 =	vmul.f32 $6.931471820e-01, v1;
	_ =	sdelay $0x1  }
0x140: {  	v1 =	vmul.f32 $1.442695020e+00, v1  }
0x141: {  	v12 =	vld [tilespmem:$0x130]  }
0x142: {  	(erf) = vpow2.f32 v1;
	_ =	sdelay $0x3  }
0x143: {  	v13 =	vadd.s32 $0xFFF0C1C0, v12  }
0x144: {  	vm14 =	vgt.s32 v13, $0x0  }
0x145: {  	v1 =	vnsel vm14, $0x0, v13;
	_ =	sdelay $0x2  }
0x146: {  	v14 =	vpop (erf)  }
0x147: {  	v15 =	vld [tilespmem:$0x630];
	[tilespmem:$0xCA0] =	vst v14  }
0x148: {  	v1 =	vld.idx.msk [tilespmem:v1+s10+$0x0], $0xffff;
	_ =	sdelay $0x3  }
0x149: {  	vm15 =	vgt.s32 v12, $0xF3FFF  }
0x14a: {  	v1 =	vsel vm15, v1, v15  }
0x14b: {  	v1 =	vsub.f32 v1, v0;
	_ =	sdelay $0x1  }
0x14c: {  	v1 =	vmul.f32 $6.931471820e-01, v1;
	_ =	sdelay $0x1  }
0x14d: {  	v1 =	vmul.f32 $1.442695020e+00, v1  }
0x14e: {  	v16 =	vld [tilespmem:$0x140]  }
0x14f: {  	(erf) = vpow2.f32 v1;
	_ =	sdelay $0x3  }
0x150: {  	v17 =	vadd.s32 $0xFFF0C1C0, v16  }
0x151: {  	vm4 =	vgt.s32 v17, $0x0  }
0x152: {  	v1 =	vnsel vm4, $0x0, v17;
	_ =	sdelay $0x2  }
0x153: {  	v18 =	vpop (erf)  }
0x154: {  	v19 =	vld [tilespmem:$0x640];
	[tilespmem:$0xCB0] =	vst v18  }
0x155: {  	v1 =	vld.idx.msk [tilespmem:v1+s10+$0x0], $0xffff;
	_ =	sdelay $0x3  }
0x156: {  	vm5 =	vgt.s32 v16, $0xF3FFF  }
0x157: {  	v1 =	vsel vm5, v1, v19  }
0x158: {  	v1 =	vsub.f32 v1, v0;
	_ =	sdelay $0x1  }
0x159: {  	v1 =	vmul.f32 $6.931471820e-01, v1;
	_ =	sdelay $0x1  }
0x15a: {  	v1 =	vmul.f32 $1.442695020e+00, v1  }
0x15b: {  	v20 =	vld [tilespmem:$0x150]  }
0x15c: {  	(erf) = vpow2.f32 v1;
	_ =	sdelay $0x3  }
0x15d: {  	v21 =	vadd.s32 $0xFFF0C1C0, v20  }
0x15e: {  	vm6 =	vgt.s32 v21, $0x0  }
0x15f: {  	v1 =	vnsel vm6, $0x0, v21;
	_ =	sdelay $0x2  }
0x160: {  	v22 =	vpop (erf)  }
0x161: {  	v23 =	vld [tilespmem:$0x650];
	[tilespmem:$0xCC0] =	vst v22  }
0x162: {  	v1 =	vld.idx.msk [tilespmem:v1+s10+$0x0], $0xffff;
	_ =	sdelay $0x3  }
0x163: {  	vm7 =	vgt.s32 v20, $0xF3FFF  }
0x164: {  	v1 =	vsel vm7, v1, v23  }
0x165: {  	v1 =	vsub.f32 v1, v0;
	_ =	sdelay $0x1  }
0x166: {  	v1 =	vmul.f32 $6.931471820e-01, v1;
	_ =	sdelay $0x1  }
0x167: {  	v1 =	vmul.f32 $1.442695020e+00, v1  }
0x168: {  	v24 =	vld [tilespmem:$0x160]  }
0x169: {  	(erf) = vpow2.f32 v1;
	_ =	sdelay $0x3  }
0x16a: {  	v25 =	vadd.s32 $0xFFF0C1C0, v24  }
0x16b: {  	vm8 =	vgt.s32 v25, $0x0  }
0x16c: {  	v1 =	vnsel vm8, $0x0, v25;
	_ =	sdelay $0x2  }
0x16d: {  	v26 =	vpop (erf)  }
0x16e: {  	v27 =	vld [tilespmem:$0x660];
	[tilespmem:$0xCD0] =	vst v26  }
0x16f: {  	v1 =	vld.idx.msk [tilespmem:v1+s10+$0x0], $0xffff;
	_ =	sdelay $0x3  }
0x170: {  	vm9 =	vgt.s32 v24, $0xF3FFF  }
0x171: {  	v1 =	vsel vm9, v1, v27  }
0x172: {  	v1 =	vsub.f32 v1, v0;
	_ =	sdelay $0x1  }
0x173: {  	v1 =	vmul.f32 $6.931471820e-01, v1;
	_ =	sdelay $0x1  }
0x174: {  	v1 =	vmul.f32 $1.442695020e+00, v1  }
0x175: {  	v28 =	vld [tilespmem:$0x170]  }
0x176: {  	(erf) = vpow2.f32 v1;
	_ =	sdelay $0x3  }
0x177: {  	v29 =	vadd.s32 $0xFFF0C1C0, v28  }
0x178: {  	vm10 =	vgt.s32 v29, $0x0  }
0x179: {  	v1 =	vnsel vm10, $0x0, v29;
	_ =	sdelay $0x2  }
0x17a: {  	v30 =	vpop (erf)  }
0x17b: {  	v31 =	vld [tilespmem:$0x670];
	[tilespmem:$0xCE0] =	vst v30  }
0x17c: {  	v1 =	vld.idx.msk [tilespmem:v1+s10+$0x0], $0xffff;
	_ =	sdelay $0x3  }
0x17d: {  	vm11 =	vgt.s32 v28, $0xF3FFF  }
0x17e: {  	v1 =	vsel vm11, v1, v31  }
0x17f: {  	v1 =	vsub.f32 v1, v0;
	_ =	sdelay $0x1  }
0x180: {  	v1 =	vmul.f32 $6.931471820e-01, v1;
	_ =	sdelay $0x1  }
0x181: {  	v1 =	vmul.f32 $1.442695020e+00, v1  }
0x182: {  	v32 =	vld [tilespmem:$0x180]  }
0x183: {  	(erf) = vpow2.f32 v1;
	_ =	sdelay $0x3  }
0x184: {  	v33 =	vadd.s32 $0xFFF0C1C0, v32  }
0x185: {  	vm12 =	vgt.s32 v33, $0x0  }
0x186: {  	v1 =	vnsel vm12, $0x0, v33;
	_ =	sdelay $0x2  }
0x187: {  	v34 =	vpop (erf)  }
0x188: {  	v35 =	vld [tilespmem:$0x680];
	[tilespmem:$0xCF0] =	vst v34  }
0x189: {  	v1 =	vld.idx.msk [tilespmem:v1+s10+$0x0], $0xffff;
	_ =	sdelay $0x3  }
0x18a: {  	vm13 =	vgt.s32 v32, $0xF3FFF  }
0x18b: {  	v1 =	vsel vm13, v1, v35  }
0x18c: {  	v1 =	vsub.f32 v1, v0;
	_ =	sdelay $0x1  }
0x18d: {  	v1 =	vmul.f32 $6.931471820e-01, v1;
	_ =	sdelay $0x1  }
0x18e: {  	v1 =	vmul.f32 $1.442695020e+00, v1  }
0x18f: {  	v36 =	vld [tilespmem:$0x190]  }
0x190: {  	(erf) = vpow2.f32 v1;
	_ =	sdelay $0x3  }
0x191: {  	v37 =	vadd.s32 $0xFFF0C1C0, v36  }
0x192: {  	vm14 =	vgt.s32 v37, $0x0  }
0x193: {  	v1 =	vnsel vm14, $0x0, v37;
	_ =	sdelay $0x2  }
0x194: {  	v38 =	vpop (erf)  }
0x195: {  	v39 =	vld [tilespmem:$0x690];
	[tilespmem:$0xD00] =	vst v38  }
0x196: {  	v1 =	vld.idx.msk [tilespmem:v1+s10+$0x0], $0xffff;
	_ =	sdelay $0x3  }
0x197: {  	vm15 =	vgt.s32 v36, $0xF3FFF  }
0x198: {  	v1 =	vsel vm15, v1, v39  }
0x199: {  	v1 =	vsub.f32 v1, v0;
	_ =	sdelay $0x1  }
0x19a: {  	v1 =	vmul.f32 $6.931471820e-01, v1;
	_ =	sdelay $0x1  }
0x19b: {  	v1 =	vmul.f32 $1.442695020e+00, v1  }
0x19c: {  	v40 =	vld [tilespmem:$0x1A0]  }
0x19d: {  	(erf) = vpow2.f32 v1;
	_ =	sdelay $0x3  }
0x19e: {  	v41 =	vadd.s32 $0xFFF0C1C0, v40  }
0x19f: {  	vm4 =	vgt.s32 v41, $0x0  }
0x1a0: {  	v1 =	vnsel vm4, $0x0, v41;
	_ =	sdelay $0x2  }
0x1a1: {  	v42 =	vpop (erf)  }
0x1a2: {  	v43 =	vld [tilespmem:$0x6A0];
	[tilespmem:$0xD10] =	vst v42  }
0x1a3: {  	v1 =	vld.idx.msk [tilespmem:v1+s10+$0x0], $0xffff;
	_ =	sdelay $0x3  }
0x1a4: {  	vm5 =	vgt.s32 v40, $0xF3FFF  }
0x1a5: {  	v1 =	vsel vm5, v1, v43  }
0x1a6: {  	v1 =	vsub.f32 v1, v0;
	_ =	sdelay $0x1  }
0x1a7: {  	v1 =	vmul.f32 $6.931471820e-01, v1;
	_ =	sdelay $0x1  }
0x1a8: {  	v1 =	vmul.f32 $1.442695020e+00, v1  }
0x1a9: {  	v44 =	vld [tilespmem:$0x1B0]  }
0x1aa: {  	(erf) = vpow2.f32 v1;
	_ =	sdelay $0x3  }
0x1ab: {  	v45 =	vadd.s32 $0xFFF0C1C0, v44  }
0x1ac: {  	vm6 =	vgt.s32 v45, $0x0  }
0x1ad: {  	v1 =	vnsel vm6, $0x0, v45;
	_ =	sdelay $0x2  }
0x1ae: {  	v46 =	vpop (erf)  }
0x1af: {  	v47 =	vld [tilespmem:$0x6B0];
	[tilespmem:$0xD20] =	vst v46  }
0x1b0: {  	v1 =	vld.idx.msk [tilespmem:v1+s10+$0x0], $0xffff;
	_ =	sdelay $0x3  }
0x1b1: {  	vm7 =	vgt.s32 v44, $0xF3FFF  }
0x1b2: {  	v1 =	vsel vm7, v1, v47  }
0x1b3: {  	v1 =	vsub.f32 v1, v0;
	_ =	sdelay $0x1  }
0x1b4: {  	v1 =	vmul.f32 $6.931471820e-01, v1;
	_ =	sdelay $0x1  }
0x1b5: {  	v1 =	vmul.f32 $1.442695020e+00, v1  }
0x1b6: {  	v48 =	vld [tilespmem:$0x1C0]  }
0x1b7: {  	(erf) = vpow2.f32 v1;
	_ =	sdelay $0x3  }
0x1b8: {  	v49 =	vadd.s32 $0xFFF0C1C0, v48  }
0x1b9: {  	vm8 =	vgt.s32 v49, $0x0  }
0x1ba: {  	v1 =	vnsel vm8, $0x0, v49;
	_ =	sdelay $0x2  }
0x1bb: {  	v50 =	vpop (erf)  }
0x1bc: {  	v51 =	vld [tilespmem:$0x6C0];
	[tilespmem:$0xD30] =	vst v50  }
0x1bd: {  	v1 =	vld.idx.msk [tilespmem:v1+s10+$0x0], $0xffff;
	_ =	sdelay $0x3  }
0x1be: {  	vm9 =	vgt.s32 v48, $0xF3FFF  }
0x1bf: {  	v1 =	vsel vm9, v1, v51  }
0x1c0: {  	v1 =	vsub.f32 v1, v0;
	_ =	sdelay $0x1  }
0x1c1: {  	v1 =	vmul.f32 $6.931471820e-01, v1;
	_ =	sdelay $0x1  }
0x1c2: {  	v1 =	vmul.f32 $1.442695020e+00, v1  }
0x1c3: {  	v52 =	vld [tilespmem:$0x1D0]  }
0x1c4: {  	(erf) = vpow2.f32 v1;
	_ =	sdelay $0x3  }
0x1c5: {  	v53 =	vadd.s32 $0xFFF0C1C0, v52  }
0x1c6: {  	vm10 =	vgt.s32 v53, $0x0  }
0x1c7: {  	v1 =	vnsel vm10, $0x0, v53;
	_ =	sdelay $0x2  }
0x1c8: {  	v54 =	vpop (erf)  }
0x1c9: {  	v55 =	vld [tilespmem:$0x6D0];
	[tilespmem:$0xD40] =	vst v54  }
0x1ca: {  	v1 =	vld.idx.msk [tilespmem:v1+s10+$0x0], $0xffff;
	_ =	sdelay $0x3  }
0x1cb: {  	vm11 =	vgt.s32 v52, $0xF3FFF  }
0x1cc: {  	v1 =	vsel vm11, v1, v55  }
0x1cd: {  	v1 =	vsub.f32 v1, v0;
	_ =	sdelay $0x1  }
0x1ce: {  	v1 =	vmul.f32 $6.931471820e-01, v1;
	_ =	sdelay $0x1  }
0x1cf: {  	v1 =	vmul.f32 $1.442695020e+00, v1  }
0x1d0: {  	v56 =	vld [tilespmem:$0x1E0]  }
0x1d1: {  	(erf) = vpow2.f32 v1;
	_ =	sdelay $0x3  }
0x1d2: {  	v57 =	vadd.s32 $0xFFF0C1C0, v56  }
0x1d3: {  	vm12 =	vgt.s32 v57, $0x0  }
0x1d4: {  	v1 =	vnsel vm12, $0x0, v57;
	_ =	sdelay $0x2  }
0x1d5: {  	v58 =	vpop (erf)  }
0x1d6: {  	v59 =	vld [tilespmem:$0x6E0];
	[tilespmem:$0xD50] =	vst v58  }
0x1d7: {  	v1 =	vld.idx.msk [tilespmem:v1+s10+$0x0], $0xffff;
	_ =	sdelay $0x3  }
0x1d8: {  	vm13 =	vgt.s32 v56, $0xF3FFF  }
0x1d9: {  	v1 =	vsel vm13, v1, v59  }
0x1da: {  	v1 =	vsub.f32 v1, v0;
	_ =	sdelay $0x1  }
0x1db: {  	v1 =	vmul.f32 $6.931471820e-01, v1;
	_ =	sdelay $0x1  }
0x1dc: {  	v1 =	vmul.f32 $1.442695020e+00, v1  }
0x1dd: {  	v60 =	vld [tilespmem:$0x1F0]  }
0x1de: {  	(erf) = vpow2.f32 v1;
	_ =	sdelay $0x3  }
0x1df: {  	v61 =	vadd.s32 $0xFFF0C1C0, v60  }
0x1e0: {  	vm14 =	vgt.s32 v61, $0x0  }
0x1e1: {  	v1 =	vnsel vm14, $0x0, v61;
	_ =	sdelay $0x2  }
0x1e2: {  	v62 =	vpop (erf)  }
0x1e3: {  	v63 =	vld [tilespmem:$0x6F0];
	[tilespmem:$0xD60] =	vst v62  }
0x1e4: {  	v1 =	vld.idx.msk [tilespmem:v1+s10+$0x0], $0xffff;
	_ =	sdelay $0x3  }
0x1e5: {  	vm15 =	vgt.s32 v60, $0xF3FFF  }
0x1e6: {  	v1 =	vsel vm15, v1, v63  }
0x1e7: {  	v0 =	vsub.f32 v1, v0;
	_ =	sdelay $0x1  }
0x1e8: {  	v0 =	vmul.f32 $6.931471820e-01, v0;
	_ =	sdelay $0x1  }
0x1e9: {  	v0 =	vmul.f32 $1.442695020e+00, v0;
	_ =	sdelay $0x1  }
0x1ea: {  	(erf) = vpow2.f32 v0;
	_ =	sdelay $0x8  }
0x1eb: {  	p0 =	sne.s32 s8, $0x1;
	v0 =	vpop (erf)  }
.Ltmp0:
0x1ec: {  	[tilespmem:$0xD70] =	vst v0;
	(pc) =	sbr.rel @p0 .LBB2_1-.Ltmp0, $4  }
0x1ed: {  	[hbm4b:s7+s5] =	stream.linear.scatter [tilespmem:s16], [sflag:$0x3], $0x200, $0x38;
	[tilespmem:$0xD80] =	vst v63  }
0x1ee: {  	_ =	swait.ge [sflag:s17], $0x200  }
0x1ef: {  	[sflag:s17] =	ssyncset.done $0x0  }
0x1f0: {  	s8 =	sadd.s32 $0xFFFFFFFF, s8;
	[sflag:s17] =	ssyncadd.s32 $0xFFFFFE00  }
0x1f1: {  	_ =	sfence.sel $0x180000  }
0x1f2: {  	[bflag:$0x0] =	sbarrier.arrive $0xFFFF  }
0x1f3: {  	p0 =	sne.s32 s4, $0x0;
	_ =	strace $0x90000047  }
0x1f4: {  	s0 =	sadd.s32 @!p0 $0x100000, s0;
	[bflag:$0x2] =	sbarrier.arrive $0xFFFF  }
0x1f5: {  	[sflag:s0] =	ssyncadd.tile.s32 @!p0 $0x1;
	_ =	shalt  }
.Lfunc_end2:
_tile_overlayer_lowered:
.L_overlay_start_2:
0x1f6: {  	(tag) =	ssettag $0x2  }
0x1f7: {  	s0 =	rddreg [dreg:$0x0];
	s2 =	stileid.u32  }
0x1f8: {  	s1 =	rddreg [dreg:$0x1];
	p0 =	sne.s32 s2, $0x0  }
0x1f9: {  	s3 =	rddreg [dreg:$0x2];
	[bflag:$0x3] =	sbarrier.arrive $0xFFFF;
	s2 =	simm.s32 @!p0 $0x1C03  }
0x1fa: {  	[timem:s3], [sflag:s2] =	dma.local @!p0 [hbm:s0], s1  }
0x1fb: {  	s0 =	simm.s32 @!p0 $0x3  }
0x1fc: {  	_ =	swait.ge @!p0 [sflag:s0], s1  }
0x1fd: {  	s1 =	ssub.s32 @!p0 $0x0, s1;
	[sflag:s0] =	ssyncset.done @!p0 $0x0  }
0x1fe: {  	[sflag:s0] =	ssyncadd.s32 @!p0 s1  }
0x1ff: {  	[bflag:$0x3] =	sbarrier.arrive $0xFFFF  }
0x200: {  	_ =	shalt  }

</sc_bundles>
